<compile_context>
chip_gen: v7x
topology: tpu7x:2x2x1
jax: 0.10.2.dev20260603
libtpu: 0.0.44.dev20260713+nightly
codegen_flags: <defaults>
</compile_context>

<pallas_src>
import jax
import jax.numpy as jnp
from jax.experimental import pallas as pl
from jax.experimental.pallas import tpu as pltpu
from jax.experimental.pallas import tpu_sc as plsc

NUM_CLASSES = 21
TOP_K = 200
NMS_THRESH = 0.45
CONF_THRESH = 0.01
V0 = 0.1
V1 = 0.2

B = 8
N = 20000
NP = 20480
R = B * NUM_CLASSES
RP = 176


def _k1_body(conf_ref, loc_ref, anc_ref, s_ref, boxes_ref, thr_ref, theta_ref):
    raw = conf_ref[...]
    s = jnp.where(raw > CONF_THRESH, raw, 0.0)
    s_ref[...] = s

    a_cx = anc_ref[0:1, :]
    a_cy = anc_ref[1:2, :]
    a_w = anc_ref[2:3, :]
    a_h = anc_ref[3:4, :]
    l0 = loc_ref[:, 0, :]
    l1 = loc_ref[:, 1, :]
    l2 = loc_ref[:, 2, :]
    l3 = loc_ref[:, 3, :]
    cx = a_cx + l0 * V0 * a_w
    cy = a_cy + l1 * V0 * a_h
    w = a_w * jnp.exp(l2 * V1)
    h = a_h * jnp.exp(l3 * V1)
    boxes_ref[:, 0, :] = cx - w * 0.5
    boxes_ref[:, 1, :] = cy - h * 0.5
    boxes_ref[:, 2, :] = cx + w * 0.5
    boxes_ref[:, 3, :] = cy + h * 0.5

    bits = jax.lax.bitcast_convert_type(s, jnp.int32)
    col = jax.lax.broadcasted_iota(jnp.int32, (RP, NP), 1)

    def vbody(_, lohi):
        lo, hi = lohi
        mid = jax.lax.shift_right_logical(lo + hi, 1)
        cnt = jnp.sum((bits >= mid).astype(jnp.int32), axis=1, keepdims=True)
        ge = cnt >= TOP_K
        return jnp.where(ge, mid, lo), jnp.where(ge, hi, mid)

    lo0 = jnp.zeros((RP, 1), jnp.int32)
    hi0 = jnp.full((RP, 1), 0x7F800000, jnp.int32)
    v200b, _ = jax.lax.fori_loop(0, 31, vbody, (lo0, hi0))

    t_need = TOP_K - jnp.sum((bits > v200b).astype(jnp.int32), axis=1,
                             keepdims=True)
    is_tie = bits == v200b

    def tbody(_, lohi):
        lo, hi = lohi
        mid = jax.lax.shift_right_logical(lo + hi, 1)
        g = jnp.sum((is_tie & (col < mid)).astype(jnp.int32), axis=1,
                    keepdims=True)
        ge = g >= t_need
        return jnp.where(ge, lo, mid), jnp.where(ge, mid, hi)

    lo1 = jnp.zeros((RP, 1), jnp.int32)
    hi1 = jnp.full((RP, 1), NP, jnp.int32)
    _, theta = jax.lax.fori_loop(0, 15, tbody, (lo1, hi1))
    theta = jnp.where(t_need <= 0, 0, theta)

    v200f = jax.lax.bitcast_convert_type(v200b, jnp.float32)
    thr_ref[...] = jnp.broadcast_to(v200f, (RP, 16))
    theta_ref[...] = jnp.broadcast_to(theta, (RP, 16))


def _k1_call(conf_t, loc_t, anchors_t):
    return pl.pallas_call(
        _k1_body,
        out_shape=(
            jax.ShapeDtypeStruct((RP, NP), jnp.float32),
            jax.ShapeDtypeStruct((B, 4, NP), jnp.float32),
            jax.ShapeDtypeStruct((RP, 16), jnp.float32),
            jax.ShapeDtypeStruct((RP, 16), jnp.int32),
        ),
    )(conf_t, loc_t, anchors_t)


def _k3_body(vals_ref, boxes_ref, outs_ref, outb_ref):
    x1 = boxes_ref[0]
    y1 = boxes_ref[1]
    x2 = boxes_ref[2]
    y2 = boxes_ref[3]
    vals = vals_ref[...]
    area = jnp.maximum(x2 - x1, 0.0) * jnp.maximum(y2 - y1, 0.0)
    ar = jax.lax.broadcasted_iota(jnp.int32, (TOP_K, R), 0)

    def body(i, keep):
        bx1 = boxes_ref[0, pl.ds(i, 1), :]
        by1 = boxes_ref[1, pl.ds(i, 1), :]
        bx2 = boxes_ref[2, pl.ds(i, 1), :]
        by2 = boxes_ref[3, pl.ds(i, 1), :]
        barea = (jnp.maximum(bx2 - bx1, 0.0) *
                 jnp.maximum(by2 - by1, 0.0))
        eq = jnp.where(ar == i, 1.0, 0.0)
        ki = jnp.sum(keep * eq, axis=0, keepdims=True) > 0.0
        xx1 = jnp.maximum(x1, bx1)
        yy1 = jnp.maximum(y1, by1)
        xx2 = jnp.minimum(x2, bx2)
        yy2 = jnp.minimum(y2, by2)
        inter = jnp.maximum(xx2 - xx1, 0.0) * jnp.maximum(yy2 - yy1, 0.0)
        union = area + barea - inter
        iou = inter / jnp.maximum(union, 1e-9)
        sup = (iou > NMS_THRESH) & (ar > i) & ki
        return jnp.where(sup, 0.0, keep)

    keep = jax.lax.fori_loop(0, TOP_K, body,
                             jnp.ones((TOP_K, R), dtype=jnp.float32))
    keep = (keep > 0.0) & (vals > 0.0)
    outs_ref[...] = jnp.where(keep, vals, 0.0)
    outb_ref[0] = jnp.where(keep, x1, 0.0)
    outb_ref[1] = jnp.where(keep, y1, 0.0)
    outb_ref[2] = jnp.where(keep, x2, 0.0)
    outb_ref[3] = jnp.where(keep, y2, 0.0)


def _k3_call(svals_t, sboxes_t):
    return pl.pallas_call(
        _k3_body,
        out_shape=(
            jax.ShapeDtypeStruct((TOP_K, R), jnp.float32),
            jax.ShapeDtypeStruct((4, TOP_K, R), jnp.float32),
        ),
    )(svals_t, sboxes_t)


KP = 224
NTILES = 32
TPI = 4
CLS_ITERS = (NUM_CLASSES + TPI - 1) // TPI


def _k2_body(s_hbm, thr_hbm, theta_hbm, boxes_hbm, svals_hbm, sboxes_hbm,
             row_v, thr_v, theta_v, cvals, cidx, svals_v, sidx_v,
             bx_v, by_v, bX_v, bY_v, g0, g1, g2, g3,
             q1v, q1i, q2v, q2i, q3v, q3i):
    nc = plsc.get_sparse_core_info().num_cores
    wid = jax.lax.axis_index("s") * nc + jax.lax.axis_index("c")
    img = wid // TPI
    coff = wid % TPI
    lane = jax.lax.broadcasted_iota(jnp.int32, (16,), 0)
    NQ = NP // 4
    NQB = NQ // 16

    pltpu.sync_copy(boxes_hbm.at[0, img], bx_v)
    pltpu.sync_copy(boxes_hbm.at[1, img], by_v)
    pltpu.sync_copy(boxes_hbm.at[2, img], bX_v)
    pltpu.sync_copy(boxes_hbm.at[3, img], bY_v)

    def do_row(r):
        pltpu.sync_copy(s_hbm.at[r], row_v)
        pltpu.sync_copy(thr_hbm.at[r], thr_v)
        pltpu.sync_copy(theta_hbm.at[r], theta_v)
        thrv = thr_v[...]
        thetav = theta_v[...]

        def cbody(i, offs):
            o0, o1, o2, o3 = offs

            def quarter(q, dstv, dsti, off):
                base = q * NQ + i * 16
                v = row_v[pl.ds(base, 16)]
                idxv = lane + base
                m = (v > thrv) | ((v == thrv) & (idxv < thetav))
                plsc.store_compressed(dstv.at[pl.ds(off, 16)], v, mask=m)
                plsc.store_compressed(dsti.at[pl.ds(off, 16)], idxv, mask=m)
                return off + jnp.sum(m.astype(jnp.int32))

            return (quarter(0, cvals, cidx, o0), quarter(1, q1v, q1i, o1),
                    quarter(2, q2v, q2i, o2), quarter(3, q3v, q3i, o3))

        c0, c1, c2, c3 = jax.lax.fori_loop(0, NQB, cbody, (0, 0, 0, 0))

        def mcopy(bufv, bufi, o, cnt):
            def mb(i, carry):
                @pl.when(i * 16 < cnt)
                def _():
                    cvals[pl.ds(o + i * 16, 16)] = bufv[pl.ds(i * 16, 16)]
                    cidx[pl.ds(o + i * 16, 16)] = bufi[pl.ds(i * 16, 16)]
                return carry

            jax.lax.fori_loop(0, (KP // 16) - 1, mb, 0)

        mcopy(q1v, q1i, c0, c1)
        mcopy(q2v, q2i, c0 + c1, c2)
        mcopy(q3v, q3i, c0 + c1 + c2, c3)

        cvals[pl.ds(200, 16)] = jnp.full((16,), -1.0, jnp.float32)
        cidx[pl.ds(200, 16)] = lane + 200
        cvals[pl.ds(208, 16)] = jnp.full((16,), -1.0, jnp.float32)
        cidx[pl.ds(208, 16)] = lane + 208

        for blocks in ((0, 1, 2, 3), (4, 5, 6, 7), (8, 9, 10, 11), (12, 13)):
            vas = [cvals[pl.ds(a * 16, 16)] for a in blocks]
            ias = [cidx[pl.ds(a * 16, 16)] for a in blocks]

            def rbody(j, ranks, vas=vas, ias=ias):
                jv = jnp.zeros((16,), jnp.int32) + j
                bv = plsc.load_gather(cvals, [jv])
                bi = plsc.load_gather(cidx, [jv])
                out = []
                for va, ia, rk in zip(vas, ias, ranks):
                    gt = (bv > va) | ((bv == va) & (bi < ia))
                    out.append(rk + gt.astype(jnp.int32))
                return tuple(out)

            z = jnp.zeros((16,), jnp.int32)
            ranks = jax.lax.fori_loop(0, KP, rbody,
                                      tuple(z for _ in blocks))
            for va, ia, rk in zip(vas, ias, ranks):
                plsc.store_scatter(svals_v, [rk], va)
                plsc.store_scatter(sidx_v, [rk], ia)

        def gbody(i, carry):
            idxv = sidx_v[pl.ds(i * 16, 16)]
            g0[pl.ds(i * 16, 16)] = plsc.load_gather(bx_v, [idxv])
            g1[pl.ds(i * 16, 16)] = plsc.load_gather(by_v, [idxv])
            g2[pl.ds(i * 16, 16)] = plsc.load_gather(bX_v, [idxv])
            g3[pl.ds(i * 16, 16)] = plsc.load_gather(bY_v, [idxv])
            return carry

        jax.lax.fori_loop(0, KP // 16, gbody, 0)

        pltpu.sync_copy(svals_v, svals_hbm.at[r])
        pltpu.sync_copy(g0, sboxes_hbm.at[0, r])
        pltpu.sync_copy(g1, sboxes_hbm.at[1, r])
        pltpu.sync_copy(g2, sboxes_hbm.at[2, r])
        pltpu.sync_copy(g3, sboxes_hbm.at[3, r])

    def rloop(k, carry):
        c = coff + TPI * k

        @pl.when(c < NUM_CLASSES)
        def _():
            do_row(img * NUM_CLASSES + c)

        return carry

    jax.lax.fori_loop(0, CLS_ITERS, rloop, 0)


def _k2_call(s, thr, theta, boxes4):
    mesh = plsc.VectorSubcoreMesh(core_axis_name="c", subcore_axis_name="s")
    f = pl.kernel(
        _k2_body,
        out_type=(
            jax.ShapeDtypeStruct((RP, KP), jnp.float32),
            jax.ShapeDtypeStruct((4, RP, KP), jnp.float32),
        ),
        mesh=mesh,
        compiler_params=pltpu.CompilerParams(needs_layout_passes=False),
        scratch_types=[
            pltpu.VMEM((NP,), jnp.float32),
            pltpu.VMEM((16,), jnp.float32),
            pltpu.VMEM((16,), jnp.int32),
            pltpu.VMEM((KP,), jnp.float32),
            pltpu.VMEM((KP,), jnp.int32),
            pltpu.VMEM((KP,), jnp.float32),
            pltpu.VMEM((KP,), jnp.int32),
            pltpu.VMEM((NP,), jnp.float32),
            pltpu.VMEM((NP,), jnp.float32),
            pltpu.VMEM((NP,), jnp.float32),
            pltpu.VMEM((NP,), jnp.float32),
            pltpu.VMEM((KP,), jnp.float32),
            pltpu.VMEM((KP,), jnp.float32),
            pltpu.VMEM((KP,), jnp.float32),
            pltpu.VMEM((KP,), jnp.float32),
            pltpu.VMEM((KP,), jnp.float32),
            pltpu.VMEM((KP,), jnp.int32),
            pltpu.VMEM((KP,), jnp.float32),
            pltpu.VMEM((KP,), jnp.int32),
            pltpu.VMEM((KP,), jnp.float32),
            pltpu.VMEM((KP,), jnp.int32),
        ],
    )
    return f(s, thr, theta, boxes4)


def kernel(preds_loc, preds_conf, anchors):
    conf_t = jnp.transpose(preds_conf, (0, 2, 1)).reshape(R, N)
    conf_t = jnp.pad(conf_t, ((0, RP - R), (0, NP - N)))
    loc_t = jnp.pad(jnp.transpose(preds_loc, (0, 2, 1)),
                    ((0, 0), (0, 0), (0, NP - N)))
    anchors_t = jnp.pad(jnp.transpose(anchors, (1, 0)), ((0, 0), (0, NP - N)))

    s, boxes_t, thr, theta = _k1_call(conf_t, loc_t, anchors_t)

    boxes4 = jnp.transpose(boxes_t, (1, 0, 2))
    svals, sboxes = _k2_call(s, thr, theta, boxes4)
    svals_t = jnp.transpose(svals[:R, :TOP_K], (1, 0))
    sboxes_t = jnp.transpose(sboxes[:, :R, :TOP_K], (0, 2, 1))

    dets, detb = _k3_call(svals_t, sboxes_t)

    det_scores = jnp.transpose(dets, (1, 0)).reshape(B, NUM_CLASSES, TOP_K, 1)
    det_loc = jnp.transpose(detb, (2, 1, 0)).reshape(B, NUM_CLASSES, TOP_K, 4)
    return det_scores, det_loc

# --- scband reference (transcript-rebuilt; emitter-appended) ---
"""Pipeline reference for scband-detect-59794534695140 (READ-ONLY COPY).

The authoritative reference and input builder live on the scoring server;
editing this copy changes nothing except your own understanding.
"""

import jax, jax.numpy as jnp
import numpy as np

NUM_CLASSES = 21
TOP_K = 200
NMS_THRESH = 0.45
CONF_THRESH = 0.01
VARIANCES = (0.1, 0.2)  # cfg['variance'] in the original (SSD defaults)


def setup_inputs(seed: int = 0) -> dict:
    key = jax.random.key(seed)
    k1, k2, k3 = jax.random.split(key, 3)
    preds_loc = jax.random.normal(k1, (8, 20000, 4), dtype=jnp.float32)
    preds_conf = jax.random.uniform(k2, (8, 20000, NUM_CLASSES), dtype=jnp.float32)
    anchors = jax.random.uniform(k3, (20000, 4), dtype=jnp.float32)
    return {"preds_loc": preds_loc, "preds_conf": preds_conf, "anchors": anchors}


def _decode(loc, anchors):
    # SSD box decoding: anchors in (cx, cy, w, h) form
    cxcy = anchors[:, :2] + loc[:, :2] * VARIANCES[0] * anchors[:, 2:]
    wh = anchors[:, 2:] * jnp.exp(loc[:, 2:] * VARIANCES[1])
    mins = cxcy - wh / 2.0
    maxs = cxcy + wh / 2.0
    return jnp.concatenate([mins, maxs], axis=1)  # [N, 4] corner form


def _iou_matrix(boxes):
    x1, y1, x2, y2 = boxes[:, 0], boxes[:, 1], boxes[:, 2], boxes[:, 3]
    area = jnp.maximum(x2 - x1, 0.0) * jnp.maximum(y2 - y1, 0.0)
    xx1 = jnp.maximum(x1[:, None], x1[None, :])
    yy1 = jnp.maximum(y1[:, None], y1[None, :])
    xx2 = jnp.minimum(x2[:, None], x2[None, :])
    yy2 = jnp.minimum(y2[:, None], y2[None, :])
    inter = jnp.maximum(xx2 - xx1, 0.0) * jnp.maximum(yy2 - yy1, 0.0)
    union = area[:, None] + area[None, :] - inter
    return inter / jnp.maximum(union, 1e-9)


def _nms_per_class(scores_c, boxes):
    # confidence threshold (mask instead of boolean compaction for fixed shapes)
    s = jnp.where(scores_c > CONF_THRESH, scores_c, 0.0)
    top_s, idx = jax.lax.top_k(s, TOP_K)
    cand = boxes[idx]  # gather candidate boxes
    iou = _iou_matrix(cand)
    ar = jnp.arange(TOP_K)

    def body(i, keep):
        row = iou[i]
        sup = (row > NMS_THRESH) & (ar > i) & keep[i]
        return keep & (~sup)

    keep = jax.lax.fori_loop(0, TOP_K, body, jnp.ones((TOP_K,), dtype=bool))
    keep = keep & (top_s > 0.0)
    out_boxes = jnp.where(keep[:, None], cand, 0.0)
    out_scores = jnp.where(keep, top_s, 0.0)
    return out_boxes, out_scores


def reference(preds_loc, preds_conf, anchors):
    # confidence: [B, N, C] -> [B, C, N] (transpose(2, 1) in original)
    conf = jnp.transpose(preds_conf, (0, 2, 1))

    def per_image(loc_i, conf_i):
        boxes = _decode(loc_i, anchors)
        b, s = jax.vmap(lambda sc: _nms_per_class(sc, boxes))(conf_i)
        return b, s

    det_loc, det_scores = jax.vmap(per_image)(preds_loc, conf)
    det_conf = det_scores[..., None]  # [B, C, top_k, 1]
    return det_conf, det_loc  # [B, C, top_k, 1], [B, C, top_k, 4]

if __name__ == "__main__":
    import jax
    _d = setup_inputs()
    print(jax.jit(kernel)(*tuple(_d.values())))

</pallas_src>

<mosaic_0001>
#map = affine_map<(d0, d1) -> (0, 0)>
#map1 = affine_map<(d0, d1) -> (0, 0, 0)>
module attributes {stable_mosaic.version = 14 : i64} {
  func.func @_k2_body(%arg0: i32, %arg1: i32, %arg2: memref<176x20480xf32, #tpu.memory_space<hbm>>, %arg3: memref<176x16xf32, #tpu.memory_space<hbm>>, %arg4: memref<176x16xi32, #tpu.memory_space<hbm>>, %arg5: memref<4x8x20480xf32, #tpu.memory_space<hbm>>, %arg6: memref<176x224xf32, #tpu.memory_space<hbm>>, %arg7: memref<4x176x224xf32, #tpu.memory_space<hbm>>, %arg8: memref<20480xf32, #tpu.memory_space<vmem>>, %arg9: memref<16xf32, #tpu.memory_space<vmem>>, %arg10: memref<16xi32, #tpu.memory_space<vmem>>, %arg11: memref<224xf32, #tpu.memory_space<vmem>>, %arg12: memref<224xi32, #tpu.memory_space<vmem>>, %arg13: memref<224xf32, #tpu.memory_space<vmem>>, %arg14: memref<224xi32, #tpu.memory_space<vmem>>, %arg15: memref<20480xf32, #tpu.memory_space<vmem>>, %arg16: memref<20480xf32, #tpu.memory_space<vmem>>, %arg17: memref<20480xf32, #tpu.memory_space<vmem>>, %arg18: memref<20480xf32, #tpu.memory_space<vmem>>, %arg19: memref<224xf32, #tpu.memory_space<vmem>>, %arg20: memref<224xf32, #tpu.memory_space<vmem>>, %arg21: memref<224xf32, #tpu.memory_space<vmem>>, %arg22: memref<224xf32, #tpu.memory_space<vmem>>, %arg23: memref<224xf32, #tpu.memory_space<vmem>>, %arg24: memref<224xi32, #tpu.memory_space<vmem>>, %arg25: memref<224xf32, #tpu.memory_space<vmem>>, %arg26: memref<224xi32, #tpu.memory_space<vmem>>, %arg27: memref<224xf32, #tpu.memory_space<vmem>>, %arg28: memref<224xi32, #tpu.memory_space<vmem>>) attributes {dimension_semantics = [#tpu.dimension_semantics<core_parallel>, #tpu.dimension_semantics<subcore_parallel>], iteration_bounds = array<i64: 2, 16>, scalar_prefetch = 0 : i64, scratch_operands = 21 : i64, tpu.core_type = #tpu.core_type<sc_vector_subcore>, window_params = [{transform_indices = #map}, {transform_indices = #map}, {transform_indices = #map}, {transform_indices = #map1}, {transform_indices = #map}, {transform_indices = #map1}]} {
    %mul3A = arith.constant 2 : i32
    %mul3A_0 = arith.muli %arg1, %mul3A : i32
    %add3A = arith.addi %mul3A_0, %arg0 : i32
    %jit3A = arith.constant 4 : i32
    %div3A = arith.divsi %add3A, %jit3A : i32
    %sign3A = arith.constant 0 : i32
    %sign3A_1 = arith.cmpi sgt, %add3A, %sign3A : i32
    %sign3A_2 = arith.extui %sign3A_1 : i1 to i32
    %sign3A_3 = arith.constant 0 : i32
    %sign3A_4 = arith.cmpi slt, %add3A, %sign3A_3 : i32
    %sign3A_5 = arith.extui %sign3A_4 : i1 to i32
    %sign3A_6 = arith.subi %sign3A_2, %sign3A_5 : i32
    %sign3A_7 = arith.constant 0 : i32
    %sign3A_8 = arith.cmpi sgt, %jit3A, %sign3A_7 : i32
    %sign3A_9 = arith.extui %sign3A_8 : i1 to i32
    %sign3A_10 = arith.constant 0 : i32
    %sign3A_11 = arith.cmpi slt, %jit3A, %sign3A_10 : i32
    %sign3A_12 = arith.extui %sign3A_11 : i1 to i32
    %sign3A_13 = arith.subi %sign3A_9, %sign3A_12 : i32
    %ne3A = arith.cmpi ne, %sign3A_6, %sign3A_13 : i32
    %rem3A = arith.remsi %add3A, %jit3A : i32
    %ne3A_14 = arith.constant 0 : i32
    %ne3A_15 = arith.cmpi ne, %rem3A, %ne3A_14 : i32
    %and3A = arith.andi %ne3A, %ne3A_15 : i1
    %sub3A = arith.constant 1 : i32
    %sub3A_16 = arith.subi %div3A, %sub3A : i32
    %select_n3A = arith.select %and3A, %sub3A_16, %div3A : i32
    %jit3A_17 = arith.constant 4 : i32
    %eq3A = arith.constant 0 : i32
    %eq3A_18 = arith.cmpi eq, %jit3A_17, %eq3A : i32
    %jit3A_19 = arith.constant 1 : i32
    %select_n3A_20 = arith.select %eq3A_18, %jit3A_19, %jit3A_17 : i32
    %rem3A_21 = arith.remsi %add3A, %select_n3A_20 : i32
    %ne3A_22 = arith.constant 0 : i32
    %ne3A_23 = arith.cmpi ne, %rem3A_21, %ne3A_22 : i32
    %lt3A = arith.constant 0 : i32
    %lt3A_24 = arith.cmpi slt, %rem3A_21, %lt3A : i32
    %lt3A_25 = arith.constant 0 : i32
    %lt3A_26 = arith.cmpi slt, %select_n3A_20, %lt3A_25 : i32
    %ne3A_27 = arith.xori %lt3A_24, %lt3A_26 : i1
    %and3A_28 = arith.andi %ne3A_27, %ne3A_23 : i1
    %add3A_29 = arith.addi %rem3A_21, %select_n3A_20 : i32
    %select_n3A_30 = arith.select %and3A_28, %add3A_29, %rem3A_21 : i32
    %iota3A = tpu.iota {dimensions = array<i32: 0>} : vector<16xi32>
    %run_scoped3A = arith.constant 0 : i32
    "tpu.region"() ({
      %run_scoped3A_39 = tpu.sem_alloc : memref<!tpu.dma_semaphore, #tpu.memory_space<semaphore_mem>>
      %dma_start3A = arith.constant 0 : i32
      %dma_start3A_40 = tpu.memref_slice %arg5[%run_scoped3A, %select_n3A, %dma_start3A] : memref<4x8x20480xf32, #tpu.memory_space<hbm>> -> memref<1x1x20480xf32, #tpu.memory_space<hbm>>
      %dma_start3A_41 = tpu.memref_squeeze %dma_start3A_40 : memref<1x1x20480xf32, #tpu.memory_space<hbm>> -> memref<20480xf32, #tpu.memory_space<hbm>>
      %dma_start3A_42 = arith.constant 0 : i32
      %dma_start3A_43 = tpu.memref_slice %arg5[%run_scoped3A, %select_n3A, %dma_start3A_42] : memref<4x8x20480xf32, #tpu.memory_space<hbm>> -> memref<1x1x20480xf32, #tpu.memory_space<hbm>>
      %dma_start3A_44 = tpu.memref_squeeze %dma_start3A_43 : memref<1x1x20480xf32, #tpu.memory_space<hbm>> -> memref<20480xf32, #tpu.memory_space<hbm>>
      tpu.enqueue_dma source(%dma_start3A_44 : memref<20480xf32, #tpu.memory_space<hbm>>) target(%arg15 : memref<20480xf32, #tpu.memory_space<vmem>>) target_semaphore(%run_scoped3A_39 : memref<!tpu.dma_semaphore, #tpu.memory_space<semaphore_mem>>)
      %dma_wait3A = arith.constant 0 : i32
      %dma_wait3A_45 = tpu.memref_slice %arg5[%run_scoped3A, %select_n3A, %dma_wait3A] : memref<4x8x20480xf32, #tpu.memory_space<hbm>> -> memref<1x1x20480xf32, #tpu.memory_space<hbm>>
      %dma_wait3A_46 = tpu.memref_squeeze %dma_wait3A_45 : memref<1x1x20480xf32, #tpu.memory_space<hbm>> -> memref<20480xf32, #tpu.memory_space<hbm>>
      %dma_wait3A_47 = arith.constant 0 : i32
      %dma_wait3A_48 = tpu.memref_slice %arg5[%run_scoped3A, %select_n3A, %dma_wait3A_47] : memref<4x8x20480xf32, #tpu.memory_space<hbm>> -> memref<1x1x20480xf32, #tpu.memory_space<hbm>>
      %dma_wait3A_49 = tpu.memref_squeeze %dma_wait3A_48 : memref<1x1x20480xf32, #tpu.memory_space<hbm>> -> memref<20480xf32, #tpu.memory_space<hbm>>
      tpu.wait_dma2 semaphore(%run_scoped3A_39 : memref<!tpu.dma_semaphore, #tpu.memory_space<semaphore_mem>>) src(%dma_wait3A_49 : memref<20480xf32, #tpu.memory_space<hbm>>) dst(%arg15 : memref<20480xf32, #tpu.memory_space<vmem>>)
      tpu.yield
    }) : () -> ()
    %run_scoped3A_31 = arith.constant 1 : i32
    "tpu.region"() ({
      %run_scoped3A_39 = tpu.sem_alloc : memref<!tpu.dma_semaphore, #tpu.memory_space<semaphore_mem>>
      %dma_start3A = arith.constant 0 : i32
      %dma_start3A_40 = tpu.memref_slice %arg5[%run_scoped3A_31, %select_n3A, %dma_start3A] : memref<4x8x20480xf32, #tpu.memory_space<hbm>> -> memref<1x1x20480xf32, #tpu.memory_space<hbm>>
      %dma_start3A_41 = tpu.memref_squeeze %dma_start3A_40 : memref<1x1x20480xf32, #tpu.memory_space<hbm>> -> memref<20480xf32, #tpu.memory_space<hbm>>
      %dma_start3A_42 = arith.constant 0 : i32
      %dma_start3A_43 = tpu.memref_slice %arg5[%run_scoped3A_31, %select_n3A, %dma_start3A_42] : memref<4x8x20480xf32, #tpu.memory_space<hbm>> -> memref<1x1x20480xf32, #tpu.memory_space<hbm>>
      %dma_start3A_44 = tpu.memref_squeeze %dma_start3A_43 : memref<1x1x20480xf32, #tpu.memory_space<hbm>> -> memref<20480xf32, #tpu.memory_space<hbm>>
      tpu.enqueue_dma source(%dma_start3A_44 : memref<20480xf32, #tpu.memory_space<hbm>>) target(%arg16 : memref<20480xf32, #tpu.memory_space<vmem>>) target_semaphore(%run_scoped3A_39 : memref<!tpu.dma_semaphore, #tpu.memory_space<semaphore_mem>>)
      %dma_wait3A = arith.constant 0 : i32
      %dma_wait3A_45 = tpu.memref_slice %arg5[%run_scoped3A_31, %select_n3A, %dma_wait3A] : memref<4x8x20480xf32, #tpu.memory_space<hbm>> -> memref<1x1x20480xf32, #tpu.memory_space<hbm>>
      %dma_wait3A_46 = tpu.memref_squeeze %dma_wait3A_45 : memref<1x1x20480xf32, #tpu.memory_space<hbm>> -> memref<20480xf32, #tpu.memory_space<hbm>>
      %dma_wait3A_47 = arith.constant 0 : i32
      %dma_wait3A_48 = tpu.memref_slice %arg5[%run_scoped3A_31, %select_n3A, %dma_wait3A_47] : memref<4x8x20480xf32, #tpu.memory_space<hbm>> -> memref<1x1x20480xf32, #tpu.memory_space<hbm>>
      %dma_wait3A_49 = tpu.memref_squeeze %dma_wait3A_48 : memref<1x1x20480xf32, #tpu.memory_space<hbm>> -> memref<20480xf32, #tpu.memory_space<hbm>>
      tpu.wait_dma2 semaphore(%run_scoped3A_39 : memref<!tpu.dma_semaphore, #tpu.memory_space<semaphore_mem>>) src(%dma_wait3A_49 : memref<20480xf32, #tpu.memory_space<hbm>>) dst(%arg16 : memref<20480xf32, #tpu.memory_space<vmem>>)
      tpu.yield
    }) : () -> ()
    %run_scoped3A_32 = arith.constant 2 : i32
    "tpu.region"() ({
      %run_scoped3A_39 = tpu.sem_alloc : memref<!tpu.dma_semaphore, #tpu.memory_space<semaphore_mem>>
      %dma_start3A = arith.constant 0 : i32
      %dma_start3A_40 = tpu.memref_slice %arg5[%run_scoped3A_32, %select_n3A, %dma_start3A] : memref<4x8x20480xf32, #tpu.memory_space<hbm>> -> memref<1x1x20480xf32, #tpu.memory_space<hbm>>
      %dma_start3A_41 = tpu.memref_squeeze %dma_start3A_40 : memref<1x1x20480xf32, #tpu.memory_space<hbm>> -> memref<20480xf32, #tpu.memory_space<hbm>>
      %dma_start3A_42 = arith.constant 0 : i32
      %dma_start3A_43 = tpu.memref_slice %arg5[%run_scoped3A_32, %select_n3A, %dma_start3A_42] : memref<4x8x20480xf32, #tpu.memory_space<hbm>> -> memref<1x1x20480xf32, #tpu.memory_space<hbm>>
      %dma_start3A_44 = tpu.memref_squeeze %dma_start3A_43 : memref<1x1x20480xf32, #tpu.memory_space<hbm>> -> memref<20480xf32, #tpu.memory_space<hbm>>
      tpu.enqueue_dma source(%dma_start3A_44 : memref<20480xf32, #tpu.memory_space<hbm>>) target(%arg17 : memref<20480xf32, #tpu.memory_space<vmem>>) target_semaphore(%run_scoped3A_39 : memref<!tpu.dma_semaphore, #tpu.memory_space<semaphore_mem>>)
      %dma_wait3A = arith.constant 0 : i32
      %dma_wait3A_45 = tpu.memref_slice %arg5[%run_scoped3A_32, %select_n3A, %dma_wait3A] : memref<4x8x20480xf32, #tpu.memory_space<hbm>> -> memref<1x1x20480xf32, #tpu.memory_space<hbm>>
      %dma_wait3A_46 = tpu.memref_squeeze %dma_wait3A_45 : memref<1x1x20480xf32, #tpu.memory_space<hbm>> -> memref<20480xf32, #tpu.memory_space<hbm>>
      %dma_wait3A_47 = arith.constant 0 : i32
      %dma_wait3A_48 = tpu.memref_slice %arg5[%run_scoped3A_32, %select_n3A, %dma_wait3A_47] : memref<4x8x20480xf32, #tpu.memory_space<hbm>> -> memref<1x1x20480xf32, #tpu.memory_space<hbm>>
      %dma_wait3A_49 = tpu.memref_squeeze %dma_wait3A_48 : memref<1x1x20480xf32, #tpu.memory_space<hbm>> -> memref<20480xf32, #tpu.memory_space<hbm>>
      tpu.wait_dma2 semaphore(%run_scoped3A_39 : memref<!tpu.dma_semaphore, #tpu.memory_space<semaphore_mem>>) src(%dma_wait3A_49 : memref<20480xf32, #tpu.memory_space<hbm>>) dst(%arg17 : memref<20480xf32, #tpu.memory_space<vmem>>)
      tpu.yield
    }) : () -> ()
    %run_scoped3A_33 = arith.constant 3 : i32
    "tpu.region"() ({
      %run_scoped3A_39 = tpu.sem_alloc : memref<!tpu.dma_semaphore, #tpu.memory_space<semaphore_mem>>
      %dma_start3A = arith.constant 0 : i32
      %dma_start3A_40 = tpu.memref_slice %arg5[%run_scoped3A_33, %select_n3A, %dma_start3A] : memref<4x8x20480xf32, #tpu.memory_space<hbm>> -> memref<1x1x20480xf32, #tpu.memory_space<hbm>>
      %dma_start3A_41 = tpu.memref_squeeze %dma_start3A_40 : memref<1x1x20480xf32, #tpu.memory_space<hbm>> -> memref<20480xf32, #tpu.memory_space<hbm>>
      %dma_start3A_42 = arith.constant 0 : i32
      %dma_start3A_43 = tpu.memref_slice %arg5[%run_scoped3A_33, %select_n3A, %dma_start3A_42] : memref<4x8x20480xf32, #tpu.memory_space<hbm>> -> memref<1x1x20480xf32, #tpu.memory_space<hbm>>
      %dma_start3A_44 = tpu.memref_squeeze %dma_start3A_43 : memref<1x1x20480xf32, #tpu.memory_space<hbm>> -> memref<20480xf32, #tpu.memory_space<hbm>>
      tpu.enqueue_dma source(%dma_start3A_44 : memref<20480xf32, #tpu.memory_space<hbm>>) target(%arg18 : memref<20480xf32, #tpu.memory_space<vmem>>) target_semaphore(%run_scoped3A_39 : memref<!tpu.dma_semaphore, #tpu.memory_space<semaphore_mem>>)
      %dma_wait3A = arith.constant 0 : i32
      %dma_wait3A_45 = tpu.memref_slice %arg5[%run_scoped3A_33, %select_n3A, %dma_wait3A] : memref<4x8x20480xf32, #tpu.memory_space<hbm>> -> memref<1x1x20480xf32, #tpu.memory_space<hbm>>
      %dma_wait3A_46 = tpu.memref_squeeze %dma_wait3A_45 : memref<1x1x20480xf32, #tpu.memory_space<hbm>> -> memref<20480xf32, #tpu.memory_space<hbm>>
      %dma_wait3A_47 = arith.constant 0 : i32
      %dma_wait3A_48 = tpu.memref_slice %arg5[%run_scoped3A_33, %select_n3A, %dma_wait3A_47] : memref<4x8x20480xf32, #tpu.memory_space<hbm>> -> memref<1x1x20480xf32, #tpu.memory_space<hbm>>
      %dma_wait3A_49 = tpu.memref_squeeze %dma_wait3A_48 : memref<1x1x20480xf32, #tpu.memory_space<hbm>> -> memref<20480xf32, #tpu.memory_space<hbm>>
      tpu.wait_dma2 semaphore(%run_scoped3A_39 : memref<!tpu.dma_semaphore, #tpu.memory_space<semaphore_mem>>) src(%dma_wait3A_49 : memref<20480xf32, #tpu.memory_space<hbm>>) dst(%arg18 : memref<20480xf32, #tpu.memory_space<vmem>>)
      tpu.yield
    }) : () -> ()
    %scan3A = arith.constant 0 : i32
    %scan3A_34 = arith.constant 0 : i32
    %scan3A_35 = arith.constant 6 : i32
    %scan3A_36 = arith.addi %scan3A_34, %scan3A_35 : i32
    %scan3A_37 = arith.constant 1 : i32
    scf.for %scan3A_39 = %scan3A_34 to %scan3A_36 step %scan3A_37  : i32 {
      %mul3A_40 = arith.constant 4 : i32
      %mul3A_41 = arith.muli %mul3A_40, %scan3A_39 : i32
      %add3A_42 = arith.addi %select_n3A_30, %mul3A_41 : i32
      %lt3A_43 = arith.constant 21 : i32
      %lt3A_44 = arith.cmpi slt, %add3A_42, %lt3A_43 : i32
      %convert_element_type3A = arith.extui %lt3A_44 : i1 to i32
      %cond3A = arith.constant 0 : i32
      %cond3A_45 = arith.cmpi ne, %convert_element_type3A, %cond3A : i32
      scf.if %cond3A_45 {
        %mul3A_46 = arith.constant 21 : i32
        %mul3A_47 = arith.muli %select_n3A, %mul3A_46 : i32
        %add3A_48 = arith.addi %mul3A_47, %add3A_42 : i32
        "tpu.region"() ({
          %run_scoped3A_197 = tpu.sem_alloc : memref<!tpu.dma_semaphore, #tpu.memory_space<semaphore_mem>>
          %dma_start3A = arith.constant 0 : i32
          %dma_start3A_198 = tpu.memref_slice %arg2[%add3A_48, %dma_start3A] : memref<176x20480xf32, #tpu.memory_space<hbm>> -> memref<1x20480xf32, #tpu.memory_space<hbm>>
          %dma_start3A_199 = tpu.memref_squeeze %dma_start3A_198 : memref<1x20480xf32, #tpu.memory_space<hbm>> -> memref<20480xf32, #tpu.memory_space<hbm>>
          %dma_start3A_200 = arith.constant 0 : i32
          %dma_start3A_201 = tpu.memref_slice %arg2[%add3A_48, %dma_start3A_200] : memref<176x20480xf32, #tpu.memory_space<hbm>> -> memref<1x20480xf32, #tpu.memory_space<hbm>>
          %dma_start3A_202 = tpu.memref_squeeze %dma_start3A_201 : memref<1x20480xf32, #tpu.memory_space<hbm>> -> memref<20480xf32, #tpu.memory_space<hbm>>
          tpu.enqueue_dma source(%dma_start3A_202 : memref<20480xf32, #tpu.memory_space<hbm>>) target(%arg8 : memref<20480xf32, #tpu.memory_space<vmem>>) target_semaphore(%run_scoped3A_197 : memref<!tpu.dma_semaphore, #tpu.memory_space<semaphore_mem>>)
          %dma_wait3A = arith.constant 0 : i32
          %dma_wait3A_203 = tpu.memref_slice %arg2[%add3A_48, %dma_wait3A] : memref<176x20480xf32, #tpu.memory_space<hbm>> -> memref<1x20480xf32, #tpu.memory_space<hbm>>
          %dma_wait3A_204 = tpu.memref_squeeze %dma_wait3A_203 : memref<1x20480xf32, #tpu.memory_space<hbm>> -> memref<20480xf32, #tpu.memory_space<hbm>>
          %dma_wait3A_205 = arith.constant 0 : i32
          %dma_wait3A_206 = tpu.memref_slice %arg2[%add3A_48, %dma_wait3A_205] : memref<176x20480xf32, #tpu.memory_space<hbm>> -> memref<1x20480xf32, #tpu.memory_space<hbm>>
          %dma_wait3A_207 = tpu.memref_squeeze %dma_wait3A_206 : memref<1x20480xf32, #tpu.memory_space<hbm>> -> memref<20480xf32, #tpu.memory_space<hbm>>
          tpu.wait_dma2 semaphore(%run_scoped3A_197 : memref<!tpu.dma_semaphore, #tpu.memory_space<semaphore_mem>>) src(%dma_wait3A_207 : memref<20480xf32, #tpu.memory_space<hbm>>) dst(%arg8 : memref<20480xf32, #tpu.memory_space<vmem>>)
          tpu.yield
        }) : () -> ()
        "tpu.region"() ({
          %run_scoped3A_197 = tpu.sem_alloc : memref<!tpu.dma_semaphore, #tpu.memory_space<semaphore_mem>>
          %dma_start3A = arith.constant 0 : i32
          %dma_start3A_198 = tpu.memref_slice %arg3[%add3A_48, %dma_start3A] : memref<176x16xf32, #tpu.memory_space<hbm>> -> memref<1x16xf32, #tpu.memory_space<hbm>>
          %dma_start3A_199 = tpu.memref_squeeze %dma_start3A_198 : memref<1x16xf32, #tpu.memory_space<hbm>> -> memref<16xf32, #tpu.memory_space<hbm>>
          %dma_start3A_200 = arith.constant 0 : i32
          %dma_start3A_201 = tpu.memref_slice %arg3[%add3A_48, %dma_start3A_200] : memref<176x16xf32, #tpu.memory_space<hbm>> -> memref<1x16xf32, #tpu.memory_space<hbm>>
          %dma_start3A_202 = tpu.memref_squeeze %dma_start3A_201 : memref<1x16xf32, #tpu.memory_space<hbm>> -> memref<16xf32, #tpu.memory_space<hbm>>
          tpu.enqueue_dma source(%dma_start3A_202 : memref<16xf32, #tpu.memory_space<hbm>>) target(%arg9 : memref<16xf32, #tpu.memory_space<vmem>>) target_semaphore(%run_scoped3A_197 : memref<!tpu.dma_semaphore, #tpu.memory_space<semaphore_mem>>)
          %dma_wait3A = arith.constant 0 : i32
          %dma_wait3A_203 = tpu.memref_slice %arg3[%add3A_48, %dma_wait3A] : memref<176x16xf32, #tpu.memory_space<hbm>> -> memref<1x16xf32, #tpu.memory_space<hbm>>
          %dma_wait3A_204 = tpu.memref_squeeze %dma_wait3A_203 : memref<1x16xf32, #tpu.memory_space<hbm>> -> memref<16xf32, #tpu.memory_space<hbm>>
          %dma_wait3A_205 = arith.constant 0 : i32
          %dma_wait3A_206 = tpu.memref_slice %arg3[%add3A_48, %dma_wait3A_205] : memref<176x16xf32, #tpu.memory_space<hbm>> -> memref<1x16xf32, #tpu.memory_space<hbm>>
          %dma_wait3A_207 = tpu.memref_squeeze %dma_wait3A_206 : memref<1x16xf32, #tpu.memory_space<hbm>> -> memref<16xf32, #tpu.memory_space<hbm>>
          tpu.wait_dma2 semaphore(%run_scoped3A_197 : memref<!tpu.dma_semaphore, #tpu.memory_space<semaphore_mem>>) src(%dma_wait3A_207 : memref<16xf32, #tpu.memory_space<hbm>>) dst(%arg9 : memref<16xf32, #tpu.memory_space<vmem>>)
          tpu.yield
        }) : () -> ()
        "tpu.region"() ({
          %run_scoped3A_197 = tpu.sem_alloc : memref<!tpu.dma_semaphore, #tpu.memory_space<semaphore_mem>>
          %dma_start3A = arith.constant 0 : i32
          %dma_start3A_198 = tpu.memref_slice %arg4[%add3A_48, %dma_start3A] : memref<176x16xi32, #tpu.memory_space<hbm>> -> memref<1x16xi32, #tpu.memory_space<hbm>>
          %dma_start3A_199 = tpu.memref_squeeze %dma_start3A_198 : memref<1x16xi32, #tpu.memory_space<hbm>> -> memref<16xi32, #tpu.memory_space<hbm>>
          %dma_start3A_200 = arith.constant 0 : i32
          %dma_start3A_201 = tpu.memref_slice %arg4[%add3A_48, %dma_start3A_200] : memref<176x16xi32, #tpu.memory_space<hbm>> -> memref<1x16xi32, #tpu.memory_space<hbm>>
          %dma_start3A_202 = tpu.memref_squeeze %dma_start3A_201 : memref<1x16xi32, #tpu.memory_space<hbm>> -> memref<16xi32, #tpu.memory_space<hbm>>
          tpu.enqueue_dma source(%dma_start3A_202 : memref<16xi32, #tpu.memory_space<hbm>>) target(%arg10 : memref<16xi32, #tpu.memory_space<vmem>>) target_semaphore(%run_scoped3A_197 : memref<!tpu.dma_semaphore, #tpu.memory_space<semaphore_mem>>)
          %dma_wait3A = arith.constant 0 : i32
          %dma_wait3A_203 = tpu.memref_slice %arg4[%add3A_48, %dma_wait3A] : memref<176x16xi32, #tpu.memory_space<hbm>> -> memref<1x16xi32, #tpu.memory_space<hbm>>
          %dma_wait3A_204 = tpu.memref_squeeze %dma_wait3A_203 : memref<1x16xi32, #tpu.memory_space<hbm>> -> memref<16xi32, #tpu.memory_space<hbm>>
          %dma_wait3A_205 = arith.constant 0 : i32
          %dma_wait3A_206 = tpu.memref_slice %arg4[%add3A_48, %dma_wait3A_205] : memref<176x16xi32, #tpu.memory_space<hbm>> -> memref<1x16xi32, #tpu.memory_space<hbm>>
          %dma_wait3A_207 = tpu.memref_squeeze %dma_wait3A_206 : memref<1x16xi32, #tpu.memory_space<hbm>> -> memref<16xi32, #tpu.memory_space<hbm>>
          tpu.wait_dma2 semaphore(%run_scoped3A_197 : memref<!tpu.dma_semaphore, #tpu.memory_space<semaphore_mem>>) src(%dma_wait3A_207 : memref<16xi32, #tpu.memory_space<hbm>>) dst(%arg10 : memref<16xi32, #tpu.memory_space<vmem>>)
          tpu.yield
        }) : () -> ()
        %get3A = arith.constant 0 : index
        %get3A_49 = tpu.vector_load %arg9[%get3A] {strides = array<i32>} : memref<16xf32, #tpu.memory_space<vmem>>, vector<16xf32>,
        %get3A_50 = arith.constant 0 : index
        %get3A_51 = tpu.vector_load %arg10[%get3A_50] {strides = array<i32>} : memref<16xi32, #tpu.memory_space<vmem>>, vector<16xi32>,
        %scan3A_52 = arith.constant 0 : i32
        %scan3A_53 = arith.constant 0 : i32
        %scan3A_54 = arith.constant 0 : i32
        %scan3A_55 = arith.constant 0 : i32
        %scan3A_56 = arith.constant 0 : i32
        %scan3A_57 = arith.constant 320 : i32
        %scan3A_58 = arith.addi %scan3A_56, %scan3A_57 : i32
        %scan3A_59 = arith.constant 1 : i32
        %scan3A_60:4 = scf.for %scan3A_197 = %scan3A_56 to %scan3A_58 step %scan3A_59 iter_args(%scan3A_198 = %scan3A_52, %scan3A_199 = %scan3A_53, %scan3A_200 = %scan3A_54, %scan3A_201 = %scan3A_55) -> (i32, i32, i32, i32)  : i32 {
          %mul3A_202 = arith.constant 16 : i32
          %mul3A_203 = arith.muli %scan3A_197, %mul3A_202 : i32
          %add3A_204 = arith.constant 0 : i32
          %add3A_205 = arith.addi %add3A_204, %mul3A_203 : i32
          %get3A_206 = arith.index_cast %add3A_205 : i32 to index
          %get3A_207 = tpu.vector_load %arg8[%get3A_206] {strides = array<i32>} : memref<20480xf32, #tpu.memory_space<vmem>>, vector<16xf32>,
          %add3A_208 = vector.broadcast %add3A_205 : i32 to vector<16xi32>
          %add3A_209 = arith.addi %iota3A, %add3A_208 : vector<16xi32>
          %gt3A = arith.cmpf ogt, %get3A_207, %get3A_49 : vector<16xf32>
          %eq3A_210 = arith.cmpf oeq, %get3A_207, %get3A_49 : vector<16xf32>
          %lt3A_211 = arith.cmpi slt, %add3A_209, %get3A_51 : vector<16xi32>
          %and3A_212 = arith.andi %eq3A_210, %lt3A_211 : vector<16xi1>
          %or3A = arith.ori %gt3A, %and3A_212 : vector<16xi1>
          %swap3A_213 = arith.index_cast %scan3A_198 : i32 to index
          %swap3A_214 = tpu.vector_load %arg11[%swap3A_213] masked %or3A {strides = array<i32>} : memref<224xf32, #tpu.memory_space<vmem>>, vector<16xf32>, vector<16xi1>
          tpu.vector_store %arg11[%swap3A_213], %get3A_207 masked %or3A {strides = array<i32>} : memref<224xf32, #tpu.memory_space<vmem>>, vector<16xf32>, vector<16xi1>
          %swap3A_215 = arith.index_cast %scan3A_198 : i32 to index
          %swap3A_216 = tpu.vector_load %arg12[%swap3A_215] masked %or3A {strides = array<i32>} : memref<224xi32, #tpu.memory_space<vmem>>, vector<16xi32>, vector<16xi1>
          tpu.vector_store %arg12[%swap3A_215], %add3A_209 masked %or3A {strides = array<i32>} : memref<224xi32, #tpu.memory_space<vmem>>, vector<16xi32>, vector<16xi1>
          %convert_element_type3A_217 = arith.extui %or3A : vector<16xi1> to vector<16xi32>
          %reduce_sum3A = arith.constant true
          %reduce_sum3A_218 = vector.broadcast %reduce_sum3A : i1 to vector<16xi1>
          %reduce_sum3A_219 = tpu.scan <sum>, %convert_element_type3A_217 masked %reduce_sum3A_218 : vector<16xi32>, vector<16xi1> -> vector<16xi32>
          %reduce_sum3A_220 = vector.extract %reduce_sum3A_219[15] : i32 from vector<16xi32>
          %add3A_221 = arith.addi %scan3A_198, %reduce_sum3A_220 : i32
          %mul3A_222 = arith.constant 16 : i32
          %mul3A_223 = arith.muli %scan3A_197, %mul3A_222 : i32
          %add3A_224 = arith.constant 5120 : i32
          %add3A_225 = arith.addi %add3A_224, %mul3A_223 : i32
          %get3A_226 = arith.index_cast %add3A_225 : i32 to index
          %get3A_227 = tpu.vector_load %arg8[%get3A_226] {strides = array<i32>} : memref<20480xf32, #tpu.memory_space<vmem>>, vector<16xf32>,
          %add3A_228 = vector.broadcast %add3A_225 : i32 to vector<16xi32>
          %add3A_229 = arith.addi %iota3A, %add3A_228 : vector<16xi32>
          %gt3A_230 = arith.cmpf ogt, %get3A_227, %get3A_49 : vector<16xf32>
          %eq3A_231 = arith.cmpf oeq, %get3A_227, %get3A_49 : vector<16xf32>
          %lt3A_232 = arith.cmpi slt, %add3A_229, %get3A_51 : vector<16xi32>
          %and3A_233 = arith.andi %eq3A_231, %lt3A_232 : vector<16xi1>
          %or3A_234 = arith.ori %gt3A_230, %and3A_233 : vector<16xi1>
          %swap3A_235 = arith.index_cast %scan3A_199 : i32 to index
          %swap3A_236 = tpu.vector_load %arg23[%swap3A_235] masked %or3A_234 {strides = array<i32>} : memref<224xf32, #tpu.memory_space<vmem>>, vector<16xf32>, vector<16xi1>
          tpu.vector_store %arg23[%swap3A_235], %get3A_227 masked %or3A_234 {strides = array<i32>} : memref<224xf32, #tpu.memory_space<vmem>>, vector<16xf32>, vector<16xi1>
          %swap3A_237 = arith.index_cast %scan3A_199 : i32 to index
          %swap3A_238 = tpu.vector_load %arg24[%swap3A_237] masked %or3A_234 {strides = array<i32>} : memref<224xi32, #tpu.memory_space<vmem>>, vector<16xi32>, vector<16xi1>
          tpu.vector_store %arg24[%swap3A_237], %add3A_229 masked %or3A_234 {strides = array<i32>} : memref<224xi32, #tpu.memory_space<vmem>>, vector<16xi32>, vector<16xi1>
          %convert_element_type3A_239 = arith.extui %or3A_234 : vector<16xi1> to vector<16xi32>
          %reduce_sum3A_240 = arith.constant true
          %reduce_sum3A_241 = vector.broadcast %reduce_sum3A_240 : i1 to vector<16xi1>
          %reduce_sum3A_242 = tpu.scan <sum>, %convert_element_type3A_239 masked %reduce_sum3A_241 : vector<16xi32>, vector<16xi1> -> vector<16xi32>
          %reduce_sum3A_243 = vector.extract %reduce_sum3A_242[15] : i32 from vector<16xi32>
          %add3A_244 = arith.addi %scan3A_199, %reduce_sum3A_243 : i32
          %mul3A_245 = arith.constant 16 : i32
          %mul3A_246 = arith.muli %scan3A_197, %mul3A_245 : i32
          %add3A_247 = arith.constant 10240 : i32
          %add3A_248 = arith.addi %add3A_247, %mul3A_246 : i32
          %get3A_249 = arith.index_cast %add3A_248 : i32 to index
          %get3A_250 = tpu.vector_load %arg8[%get3A_249] {strides = array<i32>} : memref<20480xf32, #tpu.memory_space<vmem>>, vector<16xf32>,
          %add3A_251 = vector.broadcast %add3A_248 : i32 to vector<16xi32>
          %add3A_252 = arith.addi %iota3A, %add3A_251 : vector<16xi32>
          %gt3A_253 = arith.cmpf ogt, %get3A_250, %get3A_49 : vector<16xf32>
          %eq3A_254 = arith.cmpf oeq, %get3A_250, %get3A_49 : vector<16xf32>
          %lt3A_255 = arith.cmpi slt, %add3A_252, %get3A_51 : vector<16xi32>
          %and3A_256 = arith.andi %eq3A_254, %lt3A_255 : vector<16xi1>
          %or3A_257 = arith.ori %gt3A_253, %and3A_256 : vector<16xi1>
          %swap3A_258 = arith.index_cast %scan3A_200 : i32 to index
          %swap3A_259 = tpu.vector_load %arg25[%swap3A_258] masked %or3A_257 {strides = array<i32>} : memref<224xf32, #tpu.memory_space<vmem>>, vector<16xf32>, vector<16xi1>
          tpu.vector_store %arg25[%swap3A_258], %get3A_250 masked %or3A_257 {strides = array<i32>} : memref<224xf32, #tpu.memory_space<vmem>>, vector<16xf32>, vector<16xi1>
          %swap3A_260 = arith.index_cast %scan3A_200 : i32 to index
          %swap3A_261 = tpu.vector_load %arg26[%swap3A_260] masked %or3A_257 {strides = array<i32>} : memref<224xi32, #tpu.memory_space<vmem>>, vector<16xi32>, vector<16xi1>
          tpu.vector_store %arg26[%swap3A_260], %add3A_252 masked %or3A_257 {strides = array<i32>} : memref<224xi32, #tpu.memory_space<vmem>>, vector<16xi32>, vector<16xi1>
          %convert_element_type3A_262 = arith.extui %or3A_257 : vector<16xi1> to vector<16xi32>
          %reduce_sum3A_263 = arith.constant true
          %reduce_sum3A_264 = vector.broadcast %reduce_sum3A_263 : i1 to vector<16xi1>
          %reduce_sum3A_265 = tpu.scan <sum>, %convert_element_type3A_262 masked %reduce_sum3A_264 : vector<16xi32>, vector<16xi1> -> vector<16xi32>
          %reduce_sum3A_266 = vector.extract %reduce_sum3A_265[15] : i32 from vector<16xi32>
          %add3A_267 = arith.addi %scan3A_200, %reduce_sum3A_266 : i32
          %mul3A_268 = arith.constant 16 : i32
          %mul3A_269 = arith.muli %scan3A_197, %mul3A_268 : i32
          %add3A_270 = arith.constant 15360 : i32
          %add3A_271 = arith.addi %add3A_270, %mul3A_269 : i32
          %get3A_272 = arith.index_cast %add3A_271 : i32 to index
          %get3A_273 = tpu.vector_load %arg8[%get3A_272] {strides = array<i32>} : memref<20480xf32, #tpu.memory_space<vmem>>, vector<16xf32>,
          %add3A_274 = vector.broadcast %add3A_271 : i32 to vector<16xi32>
          %add3A_275 = arith.addi %iota3A, %add3A_274 : vector<16xi32>
          %gt3A_276 = arith.cmpf ogt, %get3A_273, %get3A_49 : vector<16xf32>
          %eq3A_277 = arith.cmpf oeq, %get3A_273, %get3A_49 : vector<16xf32>
          %lt3A_278 = arith.cmpi slt, %add3A_275, %get3A_51 : vector<16xi32>
          %and3A_279 = arith.andi %eq3A_277, %lt3A_278 : vector<16xi1>
          %or3A_280 = arith.ori %gt3A_276, %and3A_279 : vector<16xi1>
          %swap3A_281 = arith.index_cast %scan3A_201 : i32 to index
          %swap3A_282 = tpu.vector_load %arg27[%swap3A_281] masked %or3A_280 {strides = array<i32>} : memref<224xf32, #tpu.memory_space<vmem>>, vector<16xf32>, vector<16xi1>
          tpu.vector_store %arg27[%swap3A_281], %get3A_273 masked %or3A_280 {strides = array<i32>} : memref<224xf32, #tpu.memory_space<vmem>>, vector<16xf32>, vector<16xi1>
          %swap3A_283 = arith.index_cast %scan3A_201 : i32 to index
          %swap3A_284 = tpu.vector_load %arg28[%swap3A_283] masked %or3A_280 {strides = array<i32>} : memref<224xi32, #tpu.memory_space<vmem>>, vector<16xi32>, vector<16xi1>
          tpu.vector_store %arg28[%swap3A_283], %add3A_275 masked %or3A_280 {strides = array<i32>} : memref<224xi32, #tpu.memory_space<vmem>>, vector<16xi32>, vector<16xi1>
          %convert_element_type3A_285 = arith.extui %or3A_280 : vector<16xi1> to vector<16xi32>
          %reduce_sum3A_286 = arith.constant true
          %reduce_sum3A_287 = vector.broadcast %reduce_sum3A_286 : i1 to vector<16xi1>
          %reduce_sum3A_288 = tpu.scan <sum>, %convert_element_type3A_285 masked %reduce_sum3A_287 : vector<16xi32>, vector<16xi1> -> vector<16xi32>
          %reduce_sum3A_289 = vector.extract %reduce_sum3A_288[15] : i32 from vector<16xi32>
          %add3A_290 = arith.addi %scan3A_201, %reduce_sum3A_289 : i32
          scf.yield %add3A_221, %add3A_244, %add3A_267, %add3A_290 : i32, i32, i32, i32
        }
        %scan3A_61 = arith.constant 320 : i32
        %scan3A_62 = arith.constant 0 : i32
        %scan3A_63 = arith.constant 0 : i32
        %scan3A_64 = arith.constant 13 : i32
        %scan3A_65 = arith.addi %scan3A_63, %scan3A_64 : i32
        %scan3A_66 = arith.constant 1 : i32
        scf.for %scan3A_197 = %scan3A_63 to %scan3A_65 step %scan3A_66  : i32 {
          %mul3A_198 = arith.constant 16 : i32
          %mul3A_199 = arith.muli %scan3A_197, %mul3A_198 : i32
          %lt3A_200 = arith.cmpi slt, %mul3A_199, %scan3A_60#1 : i32
          %convert_element_type3A_201 = arith.extui %lt3A_200 : i1 to i32
          %cond3A_202 = arith.constant 0 : i32
          %cond3A_203 = arith.cmpi ne, %convert_element_type3A_201, %cond3A_202 : i32
          scf.if %cond3A_203 {
            %mul3A_204 = arith.constant 16 : i32
            %mul3A_205 = arith.muli %scan3A_197, %mul3A_204 : i32
            %get3A_206 = arith.index_cast %mul3A_205 : i32 to index
            %get3A_207 = tpu.vector_load %arg23[%get3A_206] {strides = array<i32>} : memref<224xf32, #tpu.memory_space<vmem>>, vector<16xf32>,
            %mul3A_208 = arith.constant 16 : i32
            %mul3A_209 = arith.muli %scan3A_197, %mul3A_208 : i32
            %add3A_210 = arith.addi %scan3A_60#0, %mul3A_209 : i32
            %swap3A_211 = arith.index_cast %add3A_210 : i32 to index
            %swap3A_212 = tpu.vector_load %arg11[%swap3A_211] {strides = array<i32>} : memref<224xf32, #tpu.memory_space<vmem>>, vector<16xf32>,
            tpu.vector_store %arg11[%swap3A_211], %get3A_207 {strides = array<i32>} : memref<224xf32, #tpu.memory_space<vmem>>, vector<16xf32>,
            %mul3A_213 = arith.constant 16 : i32
            %mul3A_214 = arith.muli %scan3A_197, %mul3A_213 : i32
            %get3A_215 = arith.index_cast %mul3A_214 : i32 to index
            %get3A_216 = tpu.vector_load %arg24[%get3A_215] {strides = array<i32>} : memref<224xi32, #tpu.memory_space<vmem>>, vector<16xi32>,
            %mul3A_217 = arith.constant 16 : i32
            %mul3A_218 = arith.muli %scan3A_197, %mul3A_217 : i32
            %add3A_219 = arith.addi %scan3A_60#0, %mul3A_218 : i32
            %swap3A_220 = arith.index_cast %add3A_219 : i32 to index
            %swap3A_221 = tpu.vector_load %arg12[%swap3A_220] {strides = array<i32>} : memref<224xi32, #tpu.memory_space<vmem>>, vector<16xi32>,
            tpu.vector_store %arg12[%swap3A_220], %get3A_216 {strides = array<i32>} : memref<224xi32, #tpu.memory_space<vmem>>, vector<16xi32>,
          } else {
          }
        }
        %scan3A_67 = arith.constant 13 : i32
        %add3A_68 = arith.addi %scan3A_60#0, %scan3A_60#1 : i32
        %scan3A_69 = arith.constant 0 : i32
        %scan3A_70 = arith.constant 0 : i32
        %scan3A_71 = arith.constant 13 : i32
        %scan3A_72 = arith.addi %scan3A_70, %scan3A_71 : i32
        %scan3A_73 = arith.constant 1 : i32
        scf.for %scan3A_197 = %scan3A_70 to %scan3A_72 step %scan3A_73  : i32 {
          %mul3A_198 = arith.constant 16 : i32
          %mul3A_199 = arith.muli %scan3A_197, %mul3A_198 : i32
          %lt3A_200 = arith.cmpi slt, %mul3A_199, %scan3A_60#2 : i32
          %convert_element_type3A_201 = arith.extui %lt3A_200 : i1 to i32
          %cond3A_202 = arith.constant 0 : i32
          %cond3A_203 = arith.cmpi ne, %convert_element_type3A_201, %cond3A_202 : i32
          scf.if %cond3A_203 {
            %mul3A_204 = arith.constant 16 : i32
            %mul3A_205 = arith.muli %scan3A_197, %mul3A_204 : i32
            %get3A_206 = arith.index_cast %mul3A_205 : i32 to index
            %get3A_207 = tpu.vector_load %arg25[%get3A_206] {strides = array<i32>} : memref<224xf32, #tpu.memory_space<vmem>>, vector<16xf32>,
            %mul3A_208 = arith.constant 16 : i32
            %mul3A_209 = arith.muli %scan3A_197, %mul3A_208 : i32
            %add3A_210 = arith.addi %add3A_68, %mul3A_209 : i32
            %swap3A_211 = arith.index_cast %add3A_210 : i32 to index
            %swap3A_212 = tpu.vector_load %arg11[%swap3A_211] {strides = array<i32>} : memref<224xf32, #tpu.memory_space<vmem>>, vector<16xf32>,
            tpu.vector_store %arg11[%swap3A_211], %get3A_207 {strides = array<i32>} : memref<224xf32, #tpu.memory_space<vmem>>, vector<16xf32>,
            %mul3A_213 = arith.constant 16 : i32
            %mul3A_214 = arith.muli %scan3A_197, %mul3A_213 : i32
            %get3A_215 = arith.index_cast %mul3A_214 : i32 to index
            %get3A_216 = tpu.vector_load %arg26[%get3A_215] {strides = array<i32>} : memref<224xi32, #tpu.memory_space<vmem>>, vector<16xi32>,
            %mul3A_217 = arith.constant 16 : i32
            %mul3A_218 = arith.muli %scan3A_197, %mul3A_217 : i32
            %add3A_219 = arith.addi %add3A_68, %mul3A_218 : i32
            %swap3A_220 = arith.index_cast %add3A_219 : i32 to index
            %swap3A_221 = tpu.vector_load %arg12[%swap3A_220] {strides = array<i32>} : memref<224xi32, #tpu.memory_space<vmem>>, vector<16xi32>,
            tpu.vector_store %arg12[%swap3A_220], %get3A_216 {strides = array<i32>} : memref<224xi32, #tpu.memory_space<vmem>>, vector<16xi32>,
          } else {
          }
        }
        %scan3A_74 = arith.constant 13 : i32
        %add3A_75 = arith.addi %scan3A_60#0, %scan3A_60#1 : i32
        %add3A_76 = arith.addi %add3A_75, %scan3A_60#2 : i32
        %scan3A_77 = arith.constant 0 : i32
        %scan3A_78 = arith.constant 0 : i32
        %scan3A_79 = arith.constant 13 : i32
        %scan3A_80 = arith.addi %scan3A_78, %scan3A_79 : i32
        %scan3A_81 = arith.constant 1 : i32
        scf.for %scan3A_197 = %scan3A_78 to %scan3A_80 step %scan3A_81  : i32 {
          %mul3A_198 = arith.constant 16 : i32
          %mul3A_199 = arith.muli %scan3A_197, %mul3A_198 : i32
          %lt3A_200 = arith.cmpi slt, %mul3A_199, %scan3A_60#3 : i32
          %convert_element_type3A_201 = arith.extui %lt3A_200 : i1 to i32
          %cond3A_202 = arith.constant 0 : i32
          %cond3A_203 = arith.cmpi ne, %convert_element_type3A_201, %cond3A_202 : i32
          scf.if %cond3A_203 {
            %mul3A_204 = arith.constant 16 : i32
            %mul3A_205 = arith.muli %scan3A_197, %mul3A_204 : i32
            %get3A_206 = arith.index_cast %mul3A_205 : i32 to index
            %get3A_207 = tpu.vector_load %arg27[%get3A_206] {strides = array<i32>} : memref<224xf32, #tpu.memory_space<vmem>>, vector<16xf32>,
            %mul3A_208 = arith.constant 16 : i32
            %mul3A_209 = arith.muli %scan3A_197, %mul3A_208 : i32
            %add3A_210 = arith.addi %add3A_76, %mul3A_209 : i32
            %swap3A_211 = arith.index_cast %add3A_210 : i32 to index
            %swap3A_212 = tpu.vector_load %arg11[%swap3A_211] {strides = array<i32>} : memref<224xf32, #tpu.memory_space<vmem>>, vector<16xf32>,
            tpu.vector_store %arg11[%swap3A_211], %get3A_207 {strides = array<i32>} : memref<224xf32, #tpu.memory_space<vmem>>, vector<16xf32>,
            %mul3A_213 = arith.constant 16 : i32
            %mul3A_214 = arith.muli %scan3A_197, %mul3A_213 : i32
            %get3A_215 = arith.index_cast %mul3A_214 : i32 to index
            %get3A_216 = tpu.vector_load %arg28[%get3A_215] {strides = array<i32>} : memref<224xi32, #tpu.memory_space<vmem>>, vector<16xi32>,
            %mul3A_217 = arith.constant 16 : i32
            %mul3A_218 = arith.muli %scan3A_197, %mul3A_217 : i32
            %add3A_219 = arith.addi %add3A_76, %mul3A_218 : i32
            %swap3A_220 = arith.index_cast %add3A_219 : i32 to index
            %swap3A_221 = tpu.vector_load %arg12[%swap3A_220] {strides = array<i32>} : memref<224xi32, #tpu.memory_space<vmem>>, vector<16xi32>,
            tpu.vector_store %arg12[%swap3A_220], %get3A_216 {strides = array<i32>} : memref<224xi32, #tpu.memory_space<vmem>>, vector<16xi32>,
          } else {
          }
        }
        %scan3A_82 = arith.constant 13 : i32
        %broadcast_in_dim3A = arith.constant -1.000000e+00 : f32
        %broadcast_in_dim3A_83 = vector.broadcast %broadcast_in_dim3A : f32 to vector<16xf32>
        %swap3A = arith.constant 200 : index
        %swap3A_84 = tpu.vector_load %arg11[%swap3A] {strides = array<i32>} : memref<224xf32, #tpu.memory_space<vmem>>, vector<16xf32>,
        tpu.vector_store %arg11[%swap3A], %broadcast_in_dim3A_83 {strides = array<i32>} : memref<224xf32, #tpu.memory_space<vmem>>, vector<16xf32>,
        %add3A_85 = arith.constant 200 : i32
        %add3A_86 = vector.broadcast %add3A_85 : i32 to vector<16xi32>
        %add3A_87 = arith.addi %iota3A, %add3A_86 : vector<16xi32>
        %swap3A_88 = arith.constant 200 : index
        %swap3A_89 = tpu.vector_load %arg12[%swap3A_88] {strides = array<i32>} : memref<224xi32, #tpu.memory_space<vmem>>, vector<16xi32>,
        tpu.vector_store %arg12[%swap3A_88], %add3A_87 {strides = array<i32>} : memref<224xi32, #tpu.memory_space<vmem>>, vector<16xi32>,
        %broadcast_in_dim3A_90 = arith.constant -1.000000e+00 : f32
        %broadcast_in_dim3A_91 = vector.broadcast %broadcast_in_dim3A_90 : f32 to vector<16xf32>
        %swap3A_92 = arith.constant 208 : index
        %swap3A_93 = tpu.vector_load %arg11[%swap3A_92] {strides = array<i32>} : memref<224xf32, #tpu.memory_space<vmem>>, vector<16xf32>,
        tpu.vector_store %arg11[%swap3A_92], %broadcast_in_dim3A_91 {strides = array<i32>} : memref<224xf32, #tpu.memory_space<vmem>>, vector<16xf32>,
        %add3A_94 = arith.constant 208 : i32
        %add3A_95 = vector.broadcast %add3A_94 : i32 to vector<16xi32>
        %add3A_96 = arith.addi %iota3A, %add3A_95 : vector<16xi32>
        %swap3A_97 = arith.constant 208 : index
        %swap3A_98 = tpu.vector_load %arg12[%swap3A_97] {strides = array<i32>} : memref<224xi32, #tpu.memory_space<vmem>>, vector<16xi32>,
        tpu.vector_store %arg12[%swap3A_97], %add3A_96 {strides = array<i32>} : memref<224xi32, #tpu.memory_space<vmem>>, vector<16xi32>,
        %get3A_99 = arith.constant 0 : index
        %get3A_100 = tpu.vector_load %arg11[%get3A_99] {strides = array<i32>} : memref<224xf32, #tpu.memory_space<vmem>>, vector<16xf32>,
        %get3A_101 = arith.constant 16 : index
        %get3A_102 = tpu.vector_load %arg11[%get3A_101] {strides = array<i32>} : memref<224xf32, #tpu.memory_space<vmem>>, vector<16xf32>,
        %get3A_103 = arith.constant 32 : index
        %get3A_104 = tpu.vector_load %arg11[%get3A_103] {strides = array<i32>} : memref<224xf32, #tpu.memory_space<vmem>>, vector<16xf32>,
        %get3A_105 = arith.constant 48 : index
        %get3A_106 = tpu.vector_load %arg11[%get3A_105] {strides = array<i32>} : memref<224xf32, #tpu.memory_space<vmem>>, vector<16xf32>,
        %get3A_107 = arith.constant 0 : index
        %get3A_108 = tpu.vector_load %arg12[%get3A_107] {strides = array<i32>} : memref<224xi32, #tpu.memory_space<vmem>>, vector<16xi32>,
        %get3A_109 = arith.constant 16 : index
        %get3A_110 = tpu.vector_load %arg12[%get3A_109] {strides = array<i32>} : memref<224xi32, #tpu.memory_space<vmem>>, vector<16xi32>,
        %get3A_111 = arith.constant 32 : index
        %get3A_112 = tpu.vector_load %arg12[%get3A_111] {strides = array<i32>} : memref<224xi32, #tpu.memory_space<vmem>>, vector<16xi32>,
        %get3A_113 = arith.constant 48 : index
        %get3A_114 = tpu.vector_load %arg12[%get3A_113] {strides = array<i32>} : memref<224xi32, #tpu.memory_space<vmem>>, vector<16xi32>,
        %broadcast_in_dim3A_115 = arith.constant 0 : i32
        %broadcast_in_dim3A_116 = vector.broadcast %broadcast_in_dim3A_115 : i32 to vector<16xi32>
        %scan3A_117 = arith.constant 0 : i32
        %scan3A_118 = arith.constant 224 : i32
        %scan3A_119 = arith.addi %scan3A_117, %scan3A_118 : i32
        %scan3A_120 = arith.constant 1 : i32
        %scan3A_121:4 = scf.for %scan3A_197 = %scan3A_117 to %scan3A_119 step %scan3A_120 iter_args(%scan3A_198 = %broadcast_in_dim3A_116, %scan3A_199 = %broadcast_in_dim3A_116, %scan3A_200 = %broadcast_in_dim3A_116, %scan3A_201 = %broadcast_in_dim3A_116) -> (vector<16xi32>, vector<16xi32>, vector<16xi32>, vector<16xi32>)  : i32 {
          %broadcast_in_dim3A_202 = arith.constant 0 : i32
          %broadcast_in_dim3A_203 = vector.broadcast %broadcast_in_dim3A_202 : i32 to vector<16xi32>
          %add3A_204 = vector.broadcast %scan3A_197 : i32 to vector<16xi32>
          %add3A_205 = arith.addi %broadcast_in_dim3A_203, %add3A_204 : vector<16xi32>
          %gather3A = tpu.vector_load_idx %arg11[%add3A_205] : memref<224xf32, #tpu.memory_space<vmem>>[vector<16xi32>], vector<16xf32>,
          %gather3A_206 = tpu.vector_load_idx %arg12[%add3A_205] : memref<224xi32, #tpu.memory_space<vmem>>[vector<16xi32>], vector<16xi32>,
          %gt3A = arith.cmpf ogt, %gather3A, %get3A_100 : vector<16xf32>
          %eq3A_207 = arith.cmpf oeq, %gather3A, %get3A_100 : vector<16xf32>
          %lt3A_208 = arith.cmpi slt, %gather3A_206, %get3A_108 : vector<16xi32>
          %and3A_209 = arith.andi %eq3A_207, %lt3A_208 : vector<16xi1>
          %or3A = arith.ori %gt3A, %and3A_209 : vector<16xi1>
          %convert_element_type3A_210 = arith.extui %or3A : vector<16xi1> to vector<16xi32>
          %add3A_211 = arith.addi %scan3A_198, %convert_element_type3A_210 : vector<16xi32>
          %gt3A_212 = arith.cmpf ogt, %gather3A, %get3A_102 : vector<16xf32>
          %eq3A_213 = arith.cmpf oeq, %gather3A, %get3A_102 : vector<16xf32>
          %lt3A_214 = arith.cmpi slt, %gather3A_206, %get3A_110 : vector<16xi32>
          %and3A_215 = arith.andi %eq3A_213, %lt3A_214 : vector<16xi1>
          %or3A_216 = arith.ori %gt3A_212, %and3A_215 : vector<16xi1>
          %convert_element_type3A_217 = arith.extui %or3A_216 : vector<16xi1> to vector<16xi32>
          %add3A_218 = arith.addi %scan3A_199, %convert_element_type3A_217 : vector<16xi32>
          %gt3A_219 = arith.cmpf ogt, %gather3A, %get3A_104 : vector<16xf32>
          %eq3A_220 = arith.cmpf oeq, %gather3A, %get3A_104 : vector<16xf32>
          %lt3A_221 = arith.cmpi slt, %gather3A_206, %get3A_112 : vector<16xi32>
          %and3A_222 = arith.andi %eq3A_220, %lt3A_221 : vector<16xi1>
          %or3A_223 = arith.ori %gt3A_219, %and3A_222 : vector<16xi1>
          %convert_element_type3A_224 = arith.extui %or3A_223 : vector<16xi1> to vector<16xi32>
          %add3A_225 = arith.addi %scan3A_200, %convert_element_type3A_224 : vector<16xi32>
          %gt3A_226 = arith.cmpf ogt, %gather3A, %get3A_106 : vector<16xf32>
          %eq3A_227 = arith.cmpf oeq, %gather3A, %get3A_106 : vector<16xf32>
          %lt3A_228 = arith.cmpi slt, %gather3A_206, %get3A_114 : vector<16xi32>
          %and3A_229 = arith.andi %eq3A_227, %lt3A_228 : vector<16xi1>
          %or3A_230 = arith.ori %gt3A_226, %and3A_229 : vector<16xi1>
          %convert_element_type3A_231 = arith.extui %or3A_230 : vector<16xi1> to vector<16xi32>
          %add3A_232 = arith.addi %scan3A_201, %convert_element_type3A_231 : vector<16xi32>
          scf.yield %add3A_211, %add3A_218, %add3A_225, %add3A_232 : vector<16xi32>, vector<16xi32>, vector<16xi32>, vector<16xi32>
        }
        %scan3A_122 = arith.constant 224 : i32
        tpu.vector_store_idx %arg13[%scan3A_121#0], %get3A_100 : memref<224xf32, #tpu.memory_space<vmem>>[vector<16xi32>], vector<16xf32>,
        tpu.vector_store_idx %arg14[%scan3A_121#0], %get3A_108 : memref<224xi32, #tpu.memory_space<vmem>>[vector<16xi32>], vector<16xi32>,
        tpu.vector_store_idx %arg13[%scan3A_121#1], %get3A_102 : memref<224xf32, #tpu.memory_space<vmem>>[vector<16xi32>], vector<16xf32>,
        tpu.vector_store_idx %arg14[%scan3A_121#1], %get3A_110 : memref<224xi32, #tpu.memory_space<vmem>>[vector<16xi32>], vector<16xi32>,
        tpu.vector_store_idx %arg13[%scan3A_121#2], %get3A_104 : memref<224xf32, #tpu.memory_space<vmem>>[vector<16xi32>], vector<16xf32>,
        tpu.vector_store_idx %arg14[%scan3A_121#2], %get3A_112 : memref<224xi32, #tpu.memory_space<vmem>>[vector<16xi32>], vector<16xi32>,
        tpu.vector_store_idx %arg13[%scan3A_121#3], %get3A_106 : memref<224xf32, #tpu.memory_space<vmem>>[vector<16xi32>], vector<16xf32>,
        tpu.vector_store_idx %arg14[%scan3A_121#3], %get3A_114 : memref<224xi32, #tpu.memory_space<vmem>>[vector<16xi32>], vector<16xi32>,
        %get3A_123 = arith.constant 64 : index
        %get3A_124 = tpu.vector_load %arg11[%get3A_123] {strides = array<i32>} : memref<224xf32, #tpu.memory_space<vmem>>, vector<16xf32>,
        %get3A_125 = arith.constant 80 : index
        %get3A_126 = tpu.vector_load %arg11[%get3A_125] {strides = array<i32>} : memref<224xf32, #tpu.memory_space<vmem>>, vector<16xf32>,
        %get3A_127 = arith.constant 96 : index
        %get3A_128 = tpu.vector_load %arg11[%get3A_127] {strides = array<i32>} : memref<224xf32, #tpu.memory_space<vmem>>, vector<16xf32>,
        %get3A_129 = arith.constant 112 : index
        %get3A_130 = tpu.vector_load %arg11[%get3A_129] {strides = array<i32>} : memref<224xf32, #tpu.memory_space<vmem>>, vector<16xf32>,
        %get3A_131 = arith.constant 64 : index
        %get3A_132 = tpu.vector_load %arg12[%get3A_131] {strides = array<i32>} : memref<224xi32, #tpu.memory_space<vmem>>, vector<16xi32>,
        %get3A_133 = arith.constant 80 : index
        %get3A_134 = tpu.vector_load %arg12[%get3A_133] {strides = array<i32>} : memref<224xi32, #tpu.memory_space<vmem>>, vector<16xi32>,
        %get3A_135 = arith.constant 96 : index
        %get3A_136 = tpu.vector_load %arg12[%get3A_135] {strides = array<i32>} : memref<224xi32, #tpu.memory_space<vmem>>, vector<16xi32>,
        %get3A_137 = arith.constant 112 : index
        %get3A_138 = tpu.vector_load %arg12[%get3A_137] {strides = array<i32>} : memref<224xi32, #tpu.memory_space<vmem>>, vector<16xi32>,
        %broadcast_in_dim3A_139 = arith.constant 0 : i32
        %broadcast_in_dim3A_140 = vector.broadcast %broadcast_in_dim3A_139 : i32 to vector<16xi32>
        %scan3A_141 = arith.constant 0 : i32
        %scan3A_142 = arith.constant 224 : i32
        %scan3A_143 = arith.addi %scan3A_141, %scan3A_142 : i32
        %scan3A_144 = arith.constant 1 : i32
        %scan3A_145:4 = scf.for %scan3A_197 = %scan3A_141 to %scan3A_143 step %scan3A_144 iter_args(%scan3A_198 = %broadcast_in_dim3A_140, %scan3A_199 = %broadcast_in_dim3A_140, %scan3A_200 = %broadcast_in_dim3A_140, %scan3A_201 = %broadcast_in_dim3A_140) -> (vector<16xi32>, vector<16xi32>, vector<16xi32>, vector<16xi32>)  : i32 {
          %broadcast_in_dim3A_202 = arith.constant 0 : i32
          %broadcast_in_dim3A_203 = vector.broadcast %broadcast_in_dim3A_202 : i32 to vector<16xi32>
          %add3A_204 = vector.broadcast %scan3A_197 : i32 to vector<16xi32>
          %add3A_205 = arith.addi %broadcast_in_dim3A_203, %add3A_204 : vector<16xi32>
          %gather3A = tpu.vector_load_idx %arg11[%add3A_205] : memref<224xf32, #tpu.memory_space<vmem>>[vector<16xi32>], vector<16xf32>,
          %gather3A_206 = tpu.vector_load_idx %arg12[%add3A_205] : memref<224xi32, #tpu.memory_space<vmem>>[vector<16xi32>], vector<16xi32>,
          %gt3A = arith.cmpf ogt, %gather3A, %get3A_124 : vector<16xf32>
          %eq3A_207 = arith.cmpf oeq, %gather3A, %get3A_124 : vector<16xf32>
          %lt3A_208 = arith.cmpi slt, %gather3A_206, %get3A_132 : vector<16xi32>
          %and3A_209 = arith.andi %eq3A_207, %lt3A_208 : vector<16xi1>
          %or3A = arith.ori %gt3A, %and3A_209 : vector<16xi1>
          %convert_element_type3A_210 = arith.extui %or3A : vector<16xi1> to vector<16xi32>
          %add3A_211 = arith.addi %scan3A_198, %convert_element_type3A_210 : vector<16xi32>
          %gt3A_212 = arith.cmpf ogt, %gather3A, %get3A_126 : vector<16xf32>
          %eq3A_213 = arith.cmpf oeq, %gather3A, %get3A_126 : vector<16xf32>
          %lt3A_214 = arith.cmpi slt, %gather3A_206, %get3A_134 : vector<16xi32>
          %and3A_215 = arith.andi %eq3A_213, %lt3A_214 : vector<16xi1>
          %or3A_216 = arith.ori %gt3A_212, %and3A_215 : vector<16xi1>
          %convert_element_type3A_217 = arith.extui %or3A_216 : vector<16xi1> to vector<16xi32>
          %add3A_218 = arith.addi %scan3A_199, %convert_element_type3A_217 : vector<16xi32>
          %gt3A_219 = arith.cmpf ogt, %gather3A, %get3A_128 : vector<16xf32>
          %eq3A_220 = arith.cmpf oeq, %gather3A, %get3A_128 : vector<16xf32>
          %lt3A_221 = arith.cmpi slt, %gather3A_206, %get3A_136 : vector<16xi32>
          %and3A_222 = arith.andi %eq3A_220, %lt3A_221 : vector<16xi1>
          %or3A_223 = arith.ori %gt3A_219, %and3A_222 : vector<16xi1>
          %convert_element_type3A_224 = arith.extui %or3A_223 : vector<16xi1> to vector<16xi32>
          %add3A_225 = arith.addi %scan3A_200, %convert_element_type3A_224 : vector<16xi32>
          %gt3A_226 = arith.cmpf ogt, %gather3A, %get3A_130 : vector<16xf32>
          %eq3A_227 = arith.cmpf oeq, %gather3A, %get3A_130 : vector<16xf32>
          %lt3A_228 = arith.cmpi slt, %gather3A_206, %get3A_138 : vector<16xi32>
          %and3A_229 = arith.andi %eq3A_227, %lt3A_228 : vector<16xi1>
          %or3A_230 = arith.ori %gt3A_226, %and3A_229 : vector<16xi1>
          %convert_element_type3A_231 = arith.extui %or3A_230 : vector<16xi1> to vector<16xi32>
          %add3A_232 = arith.addi %scan3A_201, %convert_element_type3A_231 : vector<16xi32>
          scf.yield %add3A_211, %add3A_218, %add3A_225, %add3A_232 : vector<16xi32>, vector<16xi32>, vector<16xi32>, vector<16xi32>
        }
        %scan3A_146 = arith.constant 224 : i32
        tpu.vector_store_idx %arg13[%scan3A_145#0], %get3A_124 : memref<224xf32, #tpu.memory_space<vmem>>[vector<16xi32>], vector<16xf32>,
        tpu.vector_store_idx %arg14[%scan3A_145#0], %get3A_132 : memref<224xi32, #tpu.memory_space<vmem>>[vector<16xi32>], vector<16xi32>,
        tpu.vector_store_idx %arg13[%scan3A_145#1], %get3A_126 : memref<224xf32, #tpu.memory_space<vmem>>[vector<16xi32>], vector<16xf32>,
        tpu.vector_store_idx %arg14[%scan3A_145#1], %get3A_134 : memref<224xi32, #tpu.memory_space<vmem>>[vector<16xi32>], vector<16xi32>,
        tpu.vector_store_idx %arg13[%scan3A_145#2], %get3A_128 : memref<224xf32, #tpu.memory_space<vmem>>[vector<16xi32>], vector<16xf32>,
        tpu.vector_store_idx %arg14[%scan3A_145#2], %get3A_136 : memref<224xi32, #tpu.memory_space<vmem>>[vector<16xi32>], vector<16xi32>,
        tpu.vector_store_idx %arg13[%scan3A_145#3], %get3A_130 : memref<224xf32, #tpu.memory_space<vmem>>[vector<16xi32>], vector<16xf32>,
        tpu.vector_store_idx %arg14[%scan3A_145#3], %get3A_138 : memref<224xi32, #tpu.memory_space<vmem>>[vector<16xi32>], vector<16xi32>,
        %get3A_147 = arith.constant 128 : index
        %get3A_148 = tpu.vector_load %arg11[%get3A_147] {strides = array<i32>} : memref<224xf32, #tpu.memory_space<vmem>>, vector<16xf32>,
        %get3A_149 = arith.constant 144 : index
        %get3A_150 = tpu.vector_load %arg11[%get3A_149] {strides = array<i32>} : memref<224xf32, #tpu.memory_space<vmem>>, vector<16xf32>,
        %get3A_151 = arith.constant 160 : index
        %get3A_152 = tpu.vector_load %arg11[%get3A_151] {strides = array<i32>} : memref<224xf32, #tpu.memory_space<vmem>>, vector<16xf32>,
        %get3A_153 = arith.constant 176 : index
        %get3A_154 = tpu.vector_load %arg11[%get3A_153] {strides = array<i32>} : memref<224xf32, #tpu.memory_space<vmem>>, vector<16xf32>,
        %get3A_155 = arith.constant 128 : index
        %get3A_156 = tpu.vector_load %arg12[%get3A_155] {strides = array<i32>} : memref<224xi32, #tpu.memory_space<vmem>>, vector<16xi32>,
        %get3A_157 = arith.constant 144 : index
        %get3A_158 = tpu.vector_load %arg12[%get3A_157] {strides = array<i32>} : memref<224xi32, #tpu.memory_space<vmem>>, vector<16xi32>,
        %get3A_159 = arith.constant 160 : index
        %get3A_160 = tpu.vector_load %arg12[%get3A_159] {strides = array<i32>} : memref<224xi32, #tpu.memory_space<vmem>>, vector<16xi32>,
        %get3A_161 = arith.constant 176 : index
        %get3A_162 = tpu.vector_load %arg12[%get3A_161] {strides = array<i32>} : memref<224xi32, #tpu.memory_space<vmem>>, vector<16xi32>,
        %broadcast_in_dim3A_163 = arith.constant 0 : i32
        %broadcast_in_dim3A_164 = vector.broadcast %broadcast_in_dim3A_163 : i32 to vector<16xi32>
        %scan3A_165 = arith.constant 0 : i32
        %scan3A_166 = arith.constant 224 : i32
        %scan3A_167 = arith.addi %scan3A_165, %scan3A_166 : i32
        %scan3A_168 = arith.constant 1 : i32
        %scan3A_169:4 = scf.for %scan3A_197 = %scan3A_165 to %scan3A_167 step %scan3A_168 iter_args(%scan3A_198 = %broadcast_in_dim3A_164, %scan3A_199 = %broadcast_in_dim3A_164, %scan3A_200 = %broadcast_in_dim3A_164, %scan3A_201 = %broadcast_in_dim3A_164) -> (vector<16xi32>, vector<16xi32>, vector<16xi32>, vector<16xi32>)  : i32 {
          %broadcast_in_dim3A_202 = arith.constant 0 : i32
          %broadcast_in_dim3A_203 = vector.broadcast %broadcast_in_dim3A_202 : i32 to vector<16xi32>
          %add3A_204 = vector.broadcast %scan3A_197 : i32 to vector<16xi32>
          %add3A_205 = arith.addi %broadcast_in_dim3A_203, %add3A_204 : vector<16xi32>
          %gather3A = tpu.vector_load_idx %arg11[%add3A_205] : memref<224xf32, #tpu.memory_space<vmem>>[vector<16xi32>], vector<16xf32>,
          %gather3A_206 = tpu.vector_load_idx %arg12[%add3A_205] : memref<224xi32, #tpu.memory_space<vmem>>[vector<16xi32>], vector<16xi32>,
          %gt3A = arith.cmpf ogt, %gather3A, %get3A_148 : vector<16xf32>
          %eq3A_207 = arith.cmpf oeq, %gather3A, %get3A_148 : vector<16xf32>
          %lt3A_208 = arith.cmpi slt, %gather3A_206, %get3A_156 : vector<16xi32>
          %and3A_209 = arith.andi %eq3A_207, %lt3A_208 : vector<16xi1>
          %or3A = arith.ori %gt3A, %and3A_209 : vector<16xi1>
          %convert_element_type3A_210 = arith.extui %or3A : vector<16xi1> to vector<16xi32>
          %add3A_211 = arith.addi %scan3A_198, %convert_element_type3A_210 : vector<16xi32>
          %gt3A_212 = arith.cmpf ogt, %gather3A, %get3A_150 : vector<16xf32>
          %eq3A_213 = arith.cmpf oeq, %gather3A, %get3A_150 : vector<16xf32>
          %lt3A_214 = arith.cmpi slt, %gather3A_206, %get3A_158 : vector<16xi32>
          %and3A_215 = arith.andi %eq3A_213, %lt3A_214 : vector<16xi1>
          %or3A_216 = arith.ori %gt3A_212, %and3A_215 : vector<16xi1>
          %convert_element_type3A_217 = arith.extui %or3A_216 : vector<16xi1> to vector<16xi32>
          %add3A_218 = arith.addi %scan3A_199, %convert_element_type3A_217 : vector<16xi32>
          %gt3A_219 = arith.cmpf ogt, %gather3A, %get3A_152 : vector<16xf32>
          %eq3A_220 = arith.cmpf oeq, %gather3A, %get3A_152 : vector<16xf32>
          %lt3A_221 = arith.cmpi slt, %gather3A_206, %get3A_160 : vector<16xi32>
          %and3A_222 = arith.andi %eq3A_220, %lt3A_221 : vector<16xi1>
          %or3A_223 = arith.ori %gt3A_219, %and3A_222 : vector<16xi1>
          %convert_element_type3A_224 = arith.extui %or3A_223 : vector<16xi1> to vector<16xi32>
          %add3A_225 = arith.addi %scan3A_200, %convert_element_type3A_224 : vector<16xi32>
          %gt3A_226 = arith.cmpf ogt, %gather3A, %get3A_154 : vector<16xf32>
          %eq3A_227 = arith.cmpf oeq, %gather3A, %get3A_154 : vector<16xf32>
          %lt3A_228 = arith.cmpi slt, %gather3A_206, %get3A_162 : vector<16xi32>
          %and3A_229 = arith.andi %eq3A_227, %lt3A_228 : vector<16xi1>
          %or3A_230 = arith.ori %gt3A_226, %and3A_229 : vector<16xi1>
          %convert_element_type3A_231 = arith.extui %or3A_230 : vector<16xi1> to vector<16xi32>
          %add3A_232 = arith.addi %scan3A_201, %convert_element_type3A_231 : vector<16xi32>
          scf.yield %add3A_211, %add3A_218, %add3A_225, %add3A_232 : vector<16xi32>, vector<16xi32>, vector<16xi32>, vector<16xi32>
        }
        %scan3A_170 = arith.constant 224 : i32
        tpu.vector_store_idx %arg13[%scan3A_169#0], %get3A_148 : memref<224xf32, #tpu.memory_space<vmem>>[vector<16xi32>], vector<16xf32>,
        tpu.vector_store_idx %arg14[%scan3A_169#0], %get3A_156 : memref<224xi32, #tpu.memory_space<vmem>>[vector<16xi32>], vector<16xi32>,
        tpu.vector_store_idx %arg13[%scan3A_169#1], %get3A_150 : memref<224xf32, #tpu.memory_space<vmem>>[vector<16xi32>], vector<16xf32>,
        tpu.vector_store_idx %arg14[%scan3A_169#1], %get3A_158 : memref<224xi32, #tpu.memory_space<vmem>>[vector<16xi32>], vector<16xi32>,
        tpu.vector_store_idx %arg13[%scan3A_169#2], %get3A_152 : memref<224xf32, #tpu.memory_space<vmem>>[vector<16xi32>], vector<16xf32>,
        tpu.vector_store_idx %arg14[%scan3A_169#2], %get3A_160 : memref<224xi32, #tpu.memory_space<vmem>>[vector<16xi32>], vector<16xi32>,
        tpu.vector_store_idx %arg13[%scan3A_169#3], %get3A_154 : memref<224xf32, #tpu.memory_space<vmem>>[vector<16xi32>], vector<16xf32>,
        tpu.vector_store_idx %arg14[%scan3A_169#3], %get3A_162 : memref<224xi32, #tpu.memory_space<vmem>>[vector<16xi32>], vector<16xi32>,
        %get3A_171 = arith.constant 192 : index
        %get3A_172 = tpu.vector_load %arg11[%get3A_171] {strides = array<i32>} : memref<224xf32, #tpu.memory_space<vmem>>, vector<16xf32>,
        %get3A_173 = arith.constant 208 : index
        %get3A_174 = tpu.vector_load %arg11[%get3A_173] {strides = array<i32>} : memref<224xf32, #tpu.memory_space<vmem>>, vector<16xf32>,
        %get3A_175 = arith.constant 192 : index
        %get3A_176 = tpu.vector_load %arg12[%get3A_175] {strides = array<i32>} : memref<224xi32, #tpu.memory_space<vmem>>, vector<16xi32>,
        %get3A_177 = arith.constant 208 : index
        %get3A_178 = tpu.vector_load %arg12[%get3A_177] {strides = array<i32>} : memref<224xi32, #tpu.memory_space<vmem>>, vector<16xi32>,
        %broadcast_in_dim3A_179 = arith.constant 0 : i32
        %broadcast_in_dim3A_180 = vector.broadcast %broadcast_in_dim3A_179 : i32 to vector<16xi32>
        %scan3A_181 = arith.constant 0 : i32
        %scan3A_182 = arith.constant 224 : i32
        %scan3A_183 = arith.addi %scan3A_181, %scan3A_182 : i32
        %scan3A_184 = arith.constant 1 : i32
        %scan3A_185:2 = scf.for %scan3A_197 = %scan3A_181 to %scan3A_183 step %scan3A_184 iter_args(%scan3A_198 = %broadcast_in_dim3A_180, %scan3A_199 = %broadcast_in_dim3A_180) -> (vector<16xi32>, vector<16xi32>)  : i32 {
          %broadcast_in_dim3A_200 = arith.constant 0 : i32
          %broadcast_in_dim3A_201 = vector.broadcast %broadcast_in_dim3A_200 : i32 to vector<16xi32>
          %add3A_202 = vector.broadcast %scan3A_197 : i32 to vector<16xi32>
          %add3A_203 = arith.addi %broadcast_in_dim3A_201, %add3A_202 : vector<16xi32>
          %gather3A = tpu.vector_load_idx %arg11[%add3A_203] : memref<224xf32, #tpu.memory_space<vmem>>[vector<16xi32>], vector<16xf32>,
          %gather3A_204 = tpu.vector_load_idx %arg12[%add3A_203] : memref<224xi32, #tpu.memory_space<vmem>>[vector<16xi32>], vector<16xi32>,
          %gt3A = arith.cmpf ogt, %gather3A, %get3A_172 : vector<16xf32>
          %eq3A_205 = arith.cmpf oeq, %gather3A, %get3A_172 : vector<16xf32>
          %lt3A_206 = arith.cmpi slt, %gather3A_204, %get3A_176 : vector<16xi32>
          %and3A_207 = arith.andi %eq3A_205, %lt3A_206 : vector<16xi1>
          %or3A = arith.ori %gt3A, %and3A_207 : vector<16xi1>
          %convert_element_type3A_208 = arith.extui %or3A : vector<16xi1> to vector<16xi32>
          %add3A_209 = arith.addi %scan3A_198, %convert_element_type3A_208 : vector<16xi32>
          %gt3A_210 = arith.cmpf ogt, %gather3A, %get3A_174 : vector<16xf32>
          %eq3A_211 = arith.cmpf oeq, %gather3A, %get3A_174 : vector<16xf32>
          %lt3A_212 = arith.cmpi slt, %gather3A_204, %get3A_178 : vector<16xi32>
          %and3A_213 = arith.andi %eq3A_211, %lt3A_212 : vector<16xi1>
          %or3A_214 = arith.ori %gt3A_210, %and3A_213 : vector<16xi1>
          %convert_element_type3A_215 = arith.extui %or3A_214 : vector<16xi1> to vector<16xi32>
          %add3A_216 = arith.addi %scan3A_199, %convert_element_type3A_215 : vector<16xi32>
          scf.yield %add3A_209, %add3A_216 : vector<16xi32>, vector<16xi32>
        }
        %scan3A_186 = arith.constant 224 : i32
        tpu.vector_store_idx %arg13[%scan3A_185#0], %get3A_172 : memref<224xf32, #tpu.memory_space<vmem>>[vector<16xi32>], vector<16xf32>,
        tpu.vector_store_idx %arg14[%scan3A_185#0], %get3A_176 : memref<224xi32, #tpu.memory_space<vmem>>[vector<16xi32>], vector<16xi32>,
        tpu.vector_store_idx %arg13[%scan3A_185#1], %get3A_174 : memref<224xf32, #tpu.memory_space<vmem>>[vector<16xi32>], vector<16xf32>,
        tpu.vector_store_idx %arg14[%scan3A_185#1], %get3A_178 : memref<224xi32, #tpu.memory_space<vmem>>[vector<16xi32>], vector<16xi32>,
        %scan3A_187 = arith.constant 0 : i32
        %scan3A_188 = arith.constant 0 : i32
        %scan3A_189 = arith.constant 14 : i32
        %scan3A_190 = arith.addi %scan3A_188, %scan3A_189 : i32
        %scan3A_191 = arith.constant 1 : i32
        scf.for %scan3A_197 = %scan3A_188 to %scan3A_190 step %scan3A_191  : i32 {
          %mul3A_198 = arith.constant 16 : i32
          %mul3A_199 = arith.muli %scan3A_197, %mul3A_198 : i32
          %get3A_200 = arith.index_cast %mul3A_199 : i32 to index
          %get3A_201 = tpu.vector_load %arg14[%get3A_200] {strides = array<i32>} : memref<224xi32, #tpu.memory_space<vmem>>, vector<16xi32>,
          %gather3A = tpu.vector_load_idx %arg15[%get3A_201] : memref<20480xf32, #tpu.memory_space<vmem>>[vector<16xi32>], vector<16xf32>,
          %mul3A_202 = arith.constant 16 : i32
          %mul3A_203 = arith.muli %scan3A_197, %mul3A_202 : i32
          %swap3A_204 = arith.index_cast %mul3A_203 : i32 to index
          %swap3A_205 = tpu.vector_load %arg19[%swap3A_204] {strides = array<i32>} : memref<224xf32, #tpu.memory_space<vmem>>, vector<16xf32>,
          tpu.vector_store %arg19[%swap3A_204], %gather3A {strides = array<i32>} : memref<224xf32, #tpu.memory_space<vmem>>, vector<16xf32>,
          %gather3A_206 = tpu.vector_load_idx %arg16[%get3A_201] : memref<20480xf32, #tpu.memory_space<vmem>>[vector<16xi32>], vector<16xf32>,
          %mul3A_207 = arith.constant 16 : i32
          %mul3A_208 = arith.muli %scan3A_197, %mul3A_207 : i32
          %swap3A_209 = arith.index_cast %mul3A_208 : i32 to index
          %swap3A_210 = tpu.vector_load %arg20[%swap3A_209] {strides = array<i32>} : memref<224xf32, #tpu.memory_space<vmem>>, vector<16xf32>,
          tpu.vector_store %arg20[%swap3A_209], %gather3A_206 {strides = array<i32>} : memref<224xf32, #tpu.memory_space<vmem>>, vector<16xf32>,
          %gather3A_211 = tpu.vector_load_idx %arg17[%get3A_201] : memref<20480xf32, #tpu.memory_space<vmem>>[vector<16xi32>], vector<16xf32>,
          %mul3A_212 = arith.constant 16 : i32
          %mul3A_213 = arith.muli %scan3A_197, %mul3A_212 : i32
          %swap3A_214 = arith.index_cast %mul3A_213 : i32 to index
          %swap3A_215 = tpu.vector_load %arg21[%swap3A_214] {strides = array<i32>} : memref<224xf32, #tpu.memory_space<vmem>>, vector<16xf32>,
          tpu.vector_store %arg21[%swap3A_214], %gather3A_211 {strides = array<i32>} : memref<224xf32, #tpu.memory_space<vmem>>, vector<16xf32>,
          %gather3A_216 = tpu.vector_load_idx %arg18[%get3A_201] : memref<20480xf32, #tpu.memory_space<vmem>>[vector<16xi32>], vector<16xf32>,
          %mul3A_217 = arith.constant 16 : i32
          %mul3A_218 = arith.muli %scan3A_197, %mul3A_217 : i32
          %swap3A_219 = arith.index_cast %mul3A_218 : i32 to index
          %swap3A_220 = tpu.vector_load %arg22[%swap3A_219] {strides = array<i32>} : memref<224xf32, #tpu.memory_space<vmem>>, vector<16xf32>,
          tpu.vector_store %arg22[%swap3A_219], %gather3A_216 {strides = array<i32>} : memref<224xf32, #tpu.memory_space<vmem>>, vector<16xf32>,
        }
        %scan3A_192 = arith.constant 14 : i32
        "tpu.region"() ({
          %run_scoped3A_197 = tpu.sem_alloc : memref<!tpu.dma_semaphore, #tpu.memory_space<semaphore_mem>>
          %dma_start3A = arith.constant 0 : i32
          %dma_start3A_198 = tpu.memref_slice %arg6[%add3A_48, %dma_start3A] : memref<176x224xf32, #tpu.memory_space<hbm>> -> memref<1x224xf32, #tpu.memory_space<hbm>>
          %dma_start3A_199 = tpu.memref_squeeze %dma_start3A_198 : memref<1x224xf32, #tpu.memory_space<hbm>> -> memref<224xf32, #tpu.memory_space<hbm>>
          %dma_start3A_200 = arith.constant 0 : i32
          %dma_start3A_201 = tpu.memref_slice %arg6[%add3A_48, %dma_start3A_200] : memref<176x224xf32, #tpu.memory_space<hbm>> -> memref<1x224xf32, #tpu.memory_space<hbm>>
          %dma_start3A_202 = tpu.memref_squeeze %dma_start3A_201 : memref<1x224xf32, #tpu.memory_space<hbm>> -> memref<224xf32, #tpu.memory_space<hbm>>
          tpu.enqueue_dma source(%arg13 : memref<224xf32, #tpu.memory_space<vmem>>) target(%dma_start3A_202 : memref<224xf32, #tpu.memory_space<hbm>>) target_semaphore(%run_scoped3A_197 : memref<!tpu.dma_semaphore, #tpu.memory_space<semaphore_mem>>)
          %dma_wait3A = arith.constant 0 : i32
          %dma_wait3A_203 = tpu.memref_slice %arg6[%add3A_48, %dma_wait3A] : memref<176x224xf32, #tpu.memory_space<hbm>> -> memref<1x224xf32, #tpu.memory_space<hbm>>
          %dma_wait3A_204 = tpu.memref_squeeze %dma_wait3A_203 : memref<1x224xf32, #tpu.memory_space<hbm>> -> memref<224xf32, #tpu.memory_space<hbm>>
          %dma_wait3A_205 = arith.constant 0 : i32
          %dma_wait3A_206 = tpu.memref_slice %arg6[%add3A_48, %dma_wait3A_205] : memref<176x224xf32, #tpu.memory_space<hbm>> -> memref<1x224xf32, #tpu.memory_space<hbm>>
          %dma_wait3A_207 = tpu.memref_squeeze %dma_wait3A_206 : memref<1x224xf32, #tpu.memory_space<hbm>> -> memref<224xf32, #tpu.memory_space<hbm>>
          tpu.wait_dma2 semaphore(%run_scoped3A_197 : memref<!tpu.dma_semaphore, #tpu.memory_space<semaphore_mem>>) src(%arg13 : memref<224xf32, #tpu.memory_space<vmem>>) dst(%dma_wait3A_207 : memref<224xf32, #tpu.memory_space<hbm>>)
          tpu.yield
        }) : () -> ()
        %run_scoped3A_193 = arith.constant 0 : i32
        "tpu.region"() ({
          %run_scoped3A_197 = tpu.sem_alloc : memref<!tpu.dma_semaphore, #tpu.memory_space<semaphore_mem>>
          %dma_start3A = arith.constant 0 : i32
          %dma_start3A_198 = tpu.memref_slice %arg7[%run_scoped3A_193, %add3A_48, %dma_start3A] : memref<4x176x224xf32, #tpu.memory_space<hbm>> -> memref<1x1x224xf32, #tpu.memory_space<hbm>>
          %dma_start3A_199 = tpu.memref_squeeze %dma_start3A_198 : memref<1x1x224xf32, #tpu.memory_space<hbm>> -> memref<224xf32, #tpu.memory_space<hbm>>
          %dma_start3A_200 = arith.constant 0 : i32
          %dma_start3A_201 = tpu.memref_slice %arg7[%run_scoped3A_193, %add3A_48, %dma_start3A_200] : memref<4x176x224xf32, #tpu.memory_space<hbm>> -> memref<1x1x224xf32, #tpu.memory_space<hbm>>
          %dma_start3A_202 = tpu.memref_squeeze %dma_start3A_201 : memref<1x1x224xf32, #tpu.memory_space<hbm>> -> memref<224xf32, #tpu.memory_space<hbm>>
          tpu.enqueue_dma source(%arg19 : memref<224xf32, #tpu.memory_space<vmem>>) target(%dma_start3A_202 : memref<224xf32, #tpu.memory_space<hbm>>) target_semaphore(%run_scoped3A_197 : memref<!tpu.dma_semaphore, #tpu.memory_space<semaphore_mem>>)
          %dma_wait3A = arith.constant 0 : i32
          %dma_wait3A_203 = tpu.memref_slice %arg7[%run_scoped3A_193, %add3A_48, %dma_wait3A] : memref<4x176x224xf32, #tpu.memory_space<hbm>> -> memref<1x1x224xf32, #tpu.memory_space<hbm>>
          %dma_wait3A_204 = tpu.memref_squeeze %dma_wait3A_203 : memref<1x1x224xf32, #tpu.memory_space<hbm>> -> memref<224xf32, #tpu.memory_space<hbm>>
          %dma_wait3A_205 = arith.constant 0 : i32
          %dma_wait3A_206 = tpu.memref_slice %arg7[%run_scoped3A_193, %add3A_48, %dma_wait3A_205] : memref<4x176x224xf32, #tpu.memory_space<hbm>> -> memref<1x1x224xf32, #tpu.memory_space<hbm>>
          %dma_wait3A_207 = tpu.memref_squeeze %dma_wait3A_206 : memref<1x1x224xf32, #tpu.memory_space<hbm>> -> memref<224xf32, #tpu.memory_space<hbm>>
          tpu.wait_dma2 semaphore(%run_scoped3A_197 : memref<!tpu.dma_semaphore, #tpu.memory_space<semaphore_mem>>) src(%arg19 : memref<224xf32, #tpu.memory_space<vmem>>) dst(%dma_wait3A_207 : memref<224xf32, #tpu.memory_space<hbm>>)
          tpu.yield
        }) : () -> ()
        %run_scoped3A_194 = arith.constant 1 : i32
        "tpu.region"() ({
          %run_scoped3A_197 = tpu.sem_alloc : memref<!tpu.dma_semaphore, #tpu.memory_space<semaphore_mem>>
          %dma_start3A = arith.constant 0 : i32
          %dma_start3A_198 = tpu.memref_slice %arg7[%run_scoped3A_194, %add3A_48, %dma_start3A] : memref<4x176x224xf32, #tpu.memory_space<hbm>> -> memref<1x1x224xf32, #tpu.memory_space<hbm>>
          %dma_start3A_199 = tpu.memref_squeeze %dma_start3A_198 : memref<1x1x224xf32, #tpu.memory_space<hbm>> -> memref<224xf32, #tpu.memory_space<hbm>>
          %dma_start3A_200 = arith.constant 0 : i32
          %dma_start3A_201 = tpu.memref_slice %arg7[%run_scoped3A_194, %add3A_48, %dma_start3A_200] : memref<4x176x224xf32, #tpu.memory_space<hbm>> -> memref<1x1x224xf32, #tpu.memory_space<hbm>>
          %dma_start3A_202 = tpu.memref_squeeze %dma_start3A_201 : memref<1x1x224xf32, #tpu.memory_space<hbm>> -> memref<224xf32, #tpu.memory_space<hbm>>
          tpu.enqueue_dma source(%arg20 : memref<224xf32, #tpu.memory_space<vmem>>) target(%dma_start3A_202 : memref<224xf32, #tpu.memory_space<hbm>>) target_semaphore(%run_scoped3A_197 : memref<!tpu.dma_semaphore, #tpu.memory_space<semaphore_mem>>)
          %dma_wait3A = arith.constant 0 : i32
          %dma_wait3A_203 = tpu.memref_slice %arg7[%run_scoped3A_194, %add3A_48, %dma_wait3A] : memref<4x176x224xf32, #tpu.memory_space<hbm>> -> memref<1x1x224xf32, #tpu.memory_space<hbm>>
          %dma_wait3A_204 = tpu.memref_squeeze %dma_wait3A_203 : memref<1x1x224xf32, #tpu.memory_space<hbm>> -> memref<224xf32, #tpu.memory_space<hbm>>
          %dma_wait3A_205 = arith.constant 0 : i32
          %dma_wait3A_206 = tpu.memref_slice %arg7[%run_scoped3A_194, %add3A_48, %dma_wait3A_205] : memref<4x176x224xf32, #tpu.memory_space<hbm>> -> memref<1x1x224xf32, #tpu.memory_space<hbm>>
          %dma_wait3A_207 = tpu.memref_squeeze %dma_wait3A_206 : memref<1x1x224xf32, #tpu.memory_space<hbm>> -> memref<224xf32, #tpu.memory_space<hbm>>
          tpu.wait_dma2 semaphore(%run_scoped3A_197 : memref<!tpu.dma_semaphore, #tpu.memory_space<semaphore_mem>>) src(%arg20 : memref<224xf32, #tpu.memory_space<vmem>>) dst(%dma_wait3A_207 : memref<224xf32, #tpu.memory_space<hbm>>)
          tpu.yield
        }) : () -> ()
        %run_scoped3A_195 = arith.constant 2 : i32
        "tpu.region"() ({
          %run_scoped3A_197 = tpu.sem_alloc : memref<!tpu.dma_semaphore, #tpu.memory_space<semaphore_mem>>
          %dma_start3A = arith.constant 0 : i32
          %dma_start3A_198 = tpu.memref_slice %arg7[%run_scoped3A_195, %add3A_48, %dma_start3A] : memref<4x176x224xf32, #tpu.memory_space<hbm>> -> memref<1x1x224xf32, #tpu.memory_space<hbm>>
          %dma_start3A_199 = tpu.memref_squeeze %dma_start3A_198 : memref<1x1x224xf32, #tpu.memory_space<hbm>> -> memref<224xf32, #tpu.memory_space<hbm>>
          %dma_start3A_200 = arith.constant 0 : i32
          %dma_start3A_201 = tpu.memref_slice %arg7[%run_scoped3A_195, %add3A_48, %dma_start3A_200] : memref<4x176x224xf32, #tpu.memory_space<hbm>> -> memref<1x1x224xf32, #tpu.memory_space<hbm>>
          %dma_start3A_202 = tpu.memref_squeeze %dma_start3A_201 : memref<1x1x224xf32, #tpu.memory_space<hbm>> -> memref<224xf32, #tpu.memory_space<hbm>>
          tpu.enqueue_dma source(%arg21 : memref<224xf32, #tpu.memory_space<vmem>>) target(%dma_start3A_202 : memref<224xf32, #tpu.memory_space<hbm>>) target_semaphore(%run_scoped3A_197 : memref<!tpu.dma_semaphore, #tpu.memory_space<semaphore_mem>>)
          %dma_wait3A = arith.constant 0 : i32
          %dma_wait3A_203 = tpu.memref_slice %arg7[%run_scoped3A_195, %add3A_48, %dma_wait3A] : memref<4x176x224xf32, #tpu.memory_space<hbm>> -> memref<1x1x224xf32, #tpu.memory_space<hbm>>
          %dma_wait3A_204 = tpu.memref_squeeze %dma_wait3A_203 : memref<1x1x224xf32, #tpu.memory_space<hbm>> -> memref<224xf32, #tpu.memory_space<hbm>>
          %dma_wait3A_205 = arith.constant 0 : i32
          %dma_wait3A_206 = tpu.memref_slice %arg7[%run_scoped3A_195, %add3A_48, %dma_wait3A_205] : memref<4x176x224xf32, #tpu.memory_space<hbm>> -> memref<1x1x224xf32, #tpu.memory_space<hbm>>
          %dma_wait3A_207 = tpu.memref_squeeze %dma_wait3A_206 : memref<1x1x224xf32, #tpu.memory_space<hbm>> -> memref<224xf32, #tpu.memory_space<hbm>>
          tpu.wait_dma2 semaphore(%run_scoped3A_197 : memref<!tpu.dma_semaphore, #tpu.memory_space<semaphore_mem>>) src(%arg21 : memref<224xf32, #tpu.memory_space<vmem>>) dst(%dma_wait3A_207 : memref<224xf32, #tpu.memory_space<hbm>>)
          tpu.yield
        }) : () -> ()
        %run_scoped3A_196 = arith.constant 3 : i32
        "tpu.region"() ({
          %run_scoped3A_197 = tpu.sem_alloc : memref<!tpu.dma_semaphore, #tpu.memory_space<semaphore_mem>>
          %dma_start3A = arith.constant 0 : i32
          %dma_start3A_198 = tpu.memref_slice %arg7[%run_scoped3A_196, %add3A_48, %dma_start3A] : memref<4x176x224xf32, #tpu.memory_space<hbm>> -> memref<1x1x224xf32, #tpu.memory_space<hbm>>
          %dma_start3A_199 = tpu.memref_squeeze %dma_start3A_198 : memref<1x1x224xf32, #tpu.memory_space<hbm>> -> memref<224xf32, #tpu.memory_space<hbm>>
          %dma_start3A_200 = arith.constant 0 : i32
          %dma_start3A_201 = tpu.memref_slice %arg7[%run_scoped3A_196, %add3A_48, %dma_start3A_200] : memref<4x176x224xf32, #tpu.memory_space<hbm>> -> memref<1x1x224xf32, #tpu.memory_space<hbm>>
          %dma_start3A_202 = tpu.memref_squeeze %dma_start3A_201 : memref<1x1x224xf32, #tpu.memory_space<hbm>> -> memref<224xf32, #tpu.memory_space<hbm>>
          tpu.enqueue_dma source(%arg22 : memref<224xf32, #tpu.memory_space<vmem>>) target(%dma_start3A_202 : memref<224xf32, #tpu.memory_space<hbm>>) target_semaphore(%run_scoped3A_197 : memref<!tpu.dma_semaphore, #tpu.memory_space<semaphore_mem>>)
          %dma_wait3A = arith.constant 0 : i32
          %dma_wait3A_203 = tpu.memref_slice %arg7[%run_scoped3A_196, %add3A_48, %dma_wait3A] : memref<4x176x224xf32, #tpu.memory_space<hbm>> -> memref<1x1x224xf32, #tpu.memory_space<hbm>>
          %dma_wait3A_204 = tpu.memref_squeeze %dma_wait3A_203 : memref<1x1x224xf32, #tpu.memory_space<hbm>> -> memref<224xf32, #tpu.memory_space<hbm>>
          %dma_wait3A_205 = arith.constant 0 : i32
          %dma_wait3A_206 = tpu.memref_slice %arg7[%run_scoped3A_196, %add3A_48, %dma_wait3A_205] : memref<4x176x224xf32, #tpu.memory_space<hbm>> -> memref<1x1x224xf32, #tpu.memory_space<hbm>>
          %dma_wait3A_207 = tpu.memref_squeeze %dma_wait3A_206 : memref<1x1x224xf32, #tpu.memory_space<hbm>> -> memref<224xf32, #tpu.memory_space<hbm>>
          tpu.wait_dma2 semaphore(%run_scoped3A_197 : memref<!tpu.dma_semaphore, #tpu.memory_space<semaphore_mem>>) src(%arg22 : memref<224xf32, #tpu.memory_space<vmem>>) dst(%dma_wait3A_207 : memref<224xf32, #tpu.memory_space<hbm>>)
          tpu.yield
        }) : () -> ()
      } else {
      }
    }
    %scan3A_38 = arith.constant 6 : i32
    return
  }
}

module attributes {stable_mosaic.version = 14 : i64} {
  func.func @_k1_body(%arg0: memref<176x20480xf32, #tpu.memory_space<vmem>>, %arg1: memref<8x4x20480xf32, #tpu.memory_space<vmem>>, %arg2: memref<4x20480xf32, #tpu.memory_space<vmem>>, %arg3: memref<176x20480xf32, #tpu.memory_space<vmem>>, %arg4: memref<8x4x20480xf32, #tpu.memory_space<vmem>>, %arg5: memref<176x16xf32, #tpu.memory_space<vmem>>, %arg6: memref<176x16xi32, #tpu.memory_space<vmem>>) attributes {dimension_semantics = [], scalar_prefetch = 0 : i64, scratch_operands = 0 : i64, tpu.core_type = #tpu.core_type<tc>} {
    %get3A = arith.constant 0 : index
    %get3A_0 = arith.constant 0 : index
    %get3A_1 = vector.load %arg0[%get3A, %get3A_0] : memref<176x20480xf32, #tpu.memory_space<vmem>>, vector<176x20480xf32>
    %gt3A = arith.constant 0.00999999977 : f32
    %gt3A_2 = vector.broadcast %gt3A : f32 to vector<176x20480xf32>
    %gt3A_3 = arith.cmpf ogt, %get3A_1, %gt3A_2 : vector<176x20480xf32>
    %jit3A = arith.constant 0.000000e+00 : f32
    %broadcast_in_dim3A = vector.broadcast %jit3A : f32 to vector<176x20480xf32>
    %select_n3A = arith.select %gt3A_3, %get3A_1, %broadcast_in_dim3A : vector<176x20480xi1>, vector<176x20480xf32>
    %swap3A = arith.constant 0 : index
    %swap3A_4 = arith.constant 0 : index
    %swap3A_5 = vector.load %arg3[%swap3A, %swap3A_4] : memref<176x20480xf32, #tpu.memory_space<vmem>>, vector<176x20480xf32>
    tpu.vector_store %arg3[%swap3A, %swap3A_4], %select_n3A {strides = array<i32>} : memref<176x20480xf32, #tpu.memory_space<vmem>>, vector<176x20480xf32>,
    %get3A_6 = arith.constant 0 : index
    %get3A_7 = arith.constant 0 : index
    %get3A_8 = vector.load %arg2[%get3A_6, %get3A_7] : memref<4x20480xf32, #tpu.memory_space<vmem>>, vector<1x20480xf32>
    %get3A_9 = arith.constant 1 : index
    %get3A_10 = arith.constant 0 : index
    %get3A_11 = vector.load %arg2[%get3A_9, %get3A_10] : memref<4x20480xf32, #tpu.memory_space<vmem>>, vector<1x20480xf32>
    %get3A_12 = arith.constant 2 : index
    %get3A_13 = arith.constant 0 : index
    %get3A_14 = vector.load %arg2[%get3A_12, %get3A_13] : memref<4x20480xf32, #tpu.memory_space<vmem>>, vector<1x20480xf32>
    %get3A_15 = arith.constant 3 : index
    %get3A_16 = arith.constant 0 : index
    %get3A_17 = vector.load %arg2[%get3A_15, %get3A_16] : memref<4x20480xf32, #tpu.memory_space<vmem>>, vector<1x20480xf32>
    %get3A_18 = arith.constant 0 : index
    %get3A_19 = arith.constant 0 : index
    %get3A_20 = arith.constant 0 : index
    %get3A_21 = vector.load %arg1[%get3A_18, %get3A_19, %get3A_20] : memref<8x4x20480xf32, #tpu.memory_space<vmem>>, vector<8x1x20480xf32>
    %get3A_22 = vector.shape_cast %get3A_21 : vector<8x1x20480xf32> to vector<8x20480xf32>
    %get3A_23 = arith.constant 0 : index
    %get3A_24 = arith.constant 1 : index
    %get3A_25 = arith.constant 0 : index
    %get3A_26 = vector.load %arg1[%get3A_23, %get3A_24, %get3A_25] : memref<8x4x20480xf32, #tpu.memory_space<vmem>>, vector<8x1x20480xf32>
    %get3A_27 = vector.shape_cast %get3A_26 : vector<8x1x20480xf32> to vector<8x20480xf32>
    %get3A_28 = arith.constant 0 : index
    %get3A_29 = arith.constant 2 : index
    %get3A_30 = arith.constant 0 : index
    %get3A_31 = vector.load %arg1[%get3A_28, %get3A_29, %get3A_30] : memref<8x4x20480xf32, #tpu.memory_space<vmem>>, vector<8x1x20480xf32>
    %get3A_32 = vector.shape_cast %get3A_31 : vector<8x1x20480xf32> to vector<8x20480xf32>
    %get3A_33 = arith.constant 0 : index
    %get3A_34 = arith.constant 3 : index
    %get3A_35 = arith.constant 0 : index
    %get3A_36 = vector.load %arg1[%get3A_33, %get3A_34, %get3A_35] : memref<8x4x20480xf32, #tpu.memory_space<vmem>>, vector<8x1x20480xf32>
    %get3A_37 = vector.shape_cast %get3A_36 : vector<8x1x20480xf32> to vector<8x20480xf32>
    %mul3A = arith.constant 1.000000e-01 : f32
    %mul3A_38 = vector.broadcast %mul3A : f32 to vector<8x20480xf32>
    %mul3A_39 = arith.mulf %get3A_22, %mul3A_38 : vector<8x20480xf32>
    %mul3A_40 = vector.broadcast %get3A_14 : vector<1x20480xf32> to vector<8x20480xf32>
    %mul3A_41 = arith.mulf %mul3A_39, %mul3A_40 : vector<8x20480xf32>
    %add3A = vector.broadcast %get3A_8 : vector<1x20480xf32> to vector<8x20480xf32>
    %add3A_42 = arith.addf %add3A, %mul3A_41 : vector<8x20480xf32>
    %mul3A_43 = arith.constant 1.000000e-01 : f32
    %mul3A_44 = vector.broadcast %mul3A_43 : f32 to vector<8x20480xf32>
    %mul3A_45 = arith.mulf %get3A_27, %mul3A_44 : vector<8x20480xf32>
    %mul3A_46 = vector.broadcast %get3A_17 : vector<1x20480xf32> to vector<8x20480xf32>
    %mul3A_47 = arith.mulf %mul3A_45, %mul3A_46 : vector<8x20480xf32>
    %add3A_48 = vector.broadcast %get3A_11 : vector<1x20480xf32> to vector<8x20480xf32>
    %add3A_49 = arith.addf %add3A_48, %mul3A_47 : vector<8x20480xf32>
    %mul3A_50 = arith.constant 2.000000e-01 : f32
    %mul3A_51 = vector.broadcast %mul3A_50 : f32 to vector<8x20480xf32>
    %mul3A_52 = arith.mulf %get3A_32, %mul3A_51 : vector<8x20480xf32>
    %exp3A = math.exp %mul3A_52 : vector<8x20480xf32>
    %mul3A_53 = vector.broadcast %get3A_14 : vector<1x20480xf32> to vector<8x20480xf32>
    %mul3A_54 = arith.mulf %mul3A_53, %exp3A : vector<8x20480xf32>
    %mul3A_55 = arith.constant 2.000000e-01 : f32
    %mul3A_56 = vector.broadcast %mul3A_55 : f32 to vector<8x20480xf32>
    %mul3A_57 = arith.mulf %get3A_37, %mul3A_56 : vector<8x20480xf32>
    %exp3A_58 = math.exp %mul3A_57 : vector<8x20480xf32>
    %mul3A_59 = vector.broadcast %get3A_17 : vector<1x20480xf32> to vector<8x20480xf32>
    %mul3A_60 = arith.mulf %mul3A_59, %exp3A_58 : vector<8x20480xf32>
    %mul3A_61 = arith.constant 5.000000e-01 : f32
    %mul3A_62 = vector.broadcast %mul3A_61 : f32 to vector<8x20480xf32>
    %mul3A_63 = arith.mulf %mul3A_54, %mul3A_62 : vector<8x20480xf32>
    %sub3A = arith.subf %add3A_42, %mul3A_63 : vector<8x20480xf32>
    %swap3A_64 = arith.constant 0 : index
    %swap3A_65 = arith.constant 0 : index
    %swap3A_66 = arith.constant 0 : index
    %swap3A_67 = vector.load %arg4[%swap3A_64, %swap3A_65, %swap3A_66] : memref<8x4x20480xf32, #tpu.memory_space<vmem>>, vector<8x1x20480xf32>
    %swap3A_68 = vector.shape_cast %swap3A_67 : vector<8x1x20480xf32> to vector<8x20480xf32>
    %swap3A_69 = vector.shape_cast %sub3A : vector<8x20480xf32> to vector<8x1x20480xf32>
    tpu.vector_store %arg4[%swap3A_64, %swap3A_65, %swap3A_66], %swap3A_69 {strides = array<i32>} : memref<8x4x20480xf32, #tpu.memory_space<vmem>>, vector<8x1x20480xf32>,
    %mul3A_70 = arith.constant 5.000000e-01 : f32
    %mul3A_71 = vector.broadcast %mul3A_70 : f32 to vector<8x20480xf32>
    %mul3A_72 = arith.mulf %mul3A_60, %mul3A_71 : vector<8x20480xf32>
    %sub3A_73 = arith.subf %add3A_49, %mul3A_72 : vector<8x20480xf32>
    %swap3A_74 = arith.constant 0 : index
    %swap3A_75 = arith.constant 1 : index
    %swap3A_76 = arith.constant 0 : index
    %swap3A_77 = vector.load %arg4[%swap3A_74, %swap3A_75, %swap3A_76] : memref<8x4x20480xf32, #tpu.memory_space<vmem>>, vector<8x1x20480xf32>
    %swap3A_78 = vector.shape_cast %swap3A_77 : vector<8x1x20480xf32> to vector<8x20480xf32>
    %swap3A_79 = vector.shape_cast %sub3A_73 : vector<8x20480xf32> to vector<8x1x20480xf32>
    tpu.vector_store %arg4[%swap3A_74, %swap3A_75, %swap3A_76], %swap3A_79 {strides = array<i32>} : memref<8x4x20480xf32, #tpu.memory_space<vmem>>, vector<8x1x20480xf32>,
    %mul3A_80 = arith.constant 5.000000e-01 : f32
    %mul3A_81 = vector.broadcast %mul3A_80 : f32 to vector<8x20480xf32>
    %mul3A_82 = arith.mulf %mul3A_54, %mul3A_81 : vector<8x20480xf32>
    %add3A_83 = arith.addf %add3A_42, %mul3A_82 : vector<8x20480xf32>
    %swap3A_84 = arith.constant 0 : index
    %swap3A_85 = arith.constant 2 : index
    %swap3A_86 = arith.constant 0 : index
    %swap3A_87 = vector.load %arg4[%swap3A_84, %swap3A_85, %swap3A_86] : memref<8x4x20480xf32, #tpu.memory_space<vmem>>, vector<8x1x20480xf32>
    %swap3A_88 = vector.shape_cast %swap3A_87 : vector<8x1x20480xf32> to vector<8x20480xf32>
    %swap3A_89 = vector.shape_cast %add3A_83 : vector<8x20480xf32> to vector<8x1x20480xf32>
    tpu.vector_store %arg4[%swap3A_84, %swap3A_85, %swap3A_86], %swap3A_89 {strides = array<i32>} : memref<8x4x20480xf32, #tpu.memory_space<vmem>>, vector<8x1x20480xf32>,
    %mul3A_90 = arith.constant 5.000000e-01 : f32
    %mul3A_91 = vector.broadcast %mul3A_90 : f32 to vector<8x20480xf32>
    %mul3A_92 = arith.mulf %mul3A_60, %mul3A_91 : vector<8x20480xf32>
    %add3A_93 = arith.addf %add3A_49, %mul3A_92 : vector<8x20480xf32>
    %swap3A_94 = arith.constant 0 : index
    %swap3A_95 = arith.constant 3 : index
    %swap3A_96 = arith.constant 0 : index
    %swap3A_97 = vector.load %arg4[%swap3A_94, %swap3A_95, %swap3A_96] : memref<8x4x20480xf32, #tpu.memory_space<vmem>>, vector<8x1x20480xf32>
    %swap3A_98 = vector.shape_cast %swap3A_97 : vector<8x1x20480xf32> to vector<8x20480xf32>
    %swap3A_99 = vector.shape_cast %add3A_93 : vector<8x20480xf32> to vector<8x1x20480xf32>
    tpu.vector_store %arg4[%swap3A_94, %swap3A_95, %swap3A_96], %swap3A_99 {strides = array<i32>} : memref<8x4x20480xf32, #tpu.memory_space<vmem>>, vector<8x1x20480xf32>,
    %bitcast_convert_type3A = tpu.bitcast %select_n3A : vector<176x20480xf32> -> vector<176x20480xi32>
    %iota3A = tpu.iota {dimensions = array<i32: 1>} : vector<176x20480xi32>
    %broadcast_in_dim3A_100 = arith.constant 0 : i32
    %broadcast_in_dim3A_101 = vector.broadcast %broadcast_in_dim3A_100 : i32 to vector<176x1xi32>
    %broadcast_in_dim3A_102 = arith.constant 2139095040 : i32
    %broadcast_in_dim3A_103 = vector.broadcast %broadcast_in_dim3A_102 : i32 to vector<176x1xi32>
    %scan3A = arith.constant 0 : i32
    %scan3A_104 = arith.constant 31 : i32
    %scan3A_105 = arith.addi %scan3A, %scan3A_104 : i32
    %scan3A_106 = arith.constant 1 : i32
    %scan3A_107:2 = scf.for %scan3A_141 = %scan3A to %scan3A_105 step %scan3A_106 iter_args(%scan3A_142 = %broadcast_in_dim3A_101, %scan3A_143 = %broadcast_in_dim3A_103) -> (vector<176x1xi32>, vector<176x1xi32>)  : i32 {
      %add3A_144 = arith.addi %scan3A_142, %scan3A_143 : vector<176x1xi32>
      %shift_right_logical3A = arith.constant 1 : i32
      %shift_right_logical3A_145 = vector.broadcast %shift_right_logical3A : i32 to vector<176x1xi32>
      %shift_right_logical3A_146 = arith.shrui %add3A_144, %shift_right_logical3A_145 : vector<176x1xi32>
      %ge3A = vector.broadcast %shift_right_logical3A_146 : vector<176x1xi32> to vector<176x20480xi32>
      %ge3A_147 = arith.cmpi sge, %bitcast_convert_type3A, %ge3A : vector<176x20480xi32>
      %convert_element_type3A_148 = arith.extui %ge3A_147 : vector<176x20480xi1> to vector<176x20480xi32>
      %reduce_sum3A_149 = arith.constant dense<0> : vector<176xi32>
      %reduce_sum3A_150 = vector.multi_reduction <add>, %convert_element_type3A_148, %reduce_sum3A_149 [1] : vector<176x20480xi32> to vector<176xi32>
      %broadcast_in_dim3A_151 = vector.shape_cast %reduce_sum3A_150 : vector<176xi32> to vector<176x1xi32>
      %ge3A_152 = arith.constant 200 : i32
      %ge3A_153 = vector.broadcast %ge3A_152 : i32 to vector<176x1xi32>
      %ge3A_154 = arith.cmpi sge, %broadcast_in_dim3A_151, %ge3A_153 : vector<176x1xi32>
      %select_n3A_155 = arith.select %ge3A_154, %shift_right_logical3A_146, %scan3A_142 : vector<176x1xi1>, vector<176x1xi32>
      %select_n3A_156 = arith.select %ge3A_154, %scan3A_143, %shift_right_logical3A_146 : vector<176x1xi1>, vector<176x1xi32>
      scf.yield %select_n3A_155, %select_n3A_156 : vector<176x1xi32>, vector<176x1xi32>
    }
    %gt3A_108 = vector.broadcast %scan3A_107#0 : vector<176x1xi32> to vector<176x20480xi32>
    %gt3A_109 = arith.cmpi sgt, %bitcast_convert_type3A, %gt3A_108 : vector<176x20480xi32>
    %convert_element_type3A = arith.extui %gt3A_109 : vector<176x20480xi1> to vector<176x20480xi32>
    %reduce_sum3A = arith.constant dense<0> : vector<176xi32>
    %reduce_sum3A_110 = vector.multi_reduction <add>, %convert_element_type3A, %reduce_sum3A [1] : vector<176x20480xi32> to vector<176xi32>
    %broadcast_in_dim3A_111 = vector.shape_cast %reduce_sum3A_110 : vector<176xi32> to vector<176x1xi32>
    %sub3A_112 = arith.constant 200 : i32
    %sub3A_113 = vector.broadcast %sub3A_112 : i32 to vector<176x1xi32>
    %sub3A_114 = arith.subi %sub3A_113, %broadcast_in_dim3A_111 : vector<176x1xi32>
    %eq3A = vector.broadcast %scan3A_107#0 : vector<176x1xi32> to vector<176x20480xi32>
    %eq3A_115 = arith.cmpi eq, %bitcast_convert_type3A, %eq3A : vector<176x20480xi32>
    %broadcast_in_dim3A_116 = arith.constant 0 : i32
    %broadcast_in_dim3A_117 = vector.broadcast %broadcast_in_dim3A_116 : i32 to vector<176x1xi32>
    %broadcast_in_dim3A_118 = arith.constant 20480 : i32
    %broadcast_in_dim3A_119 = vector.broadcast %broadcast_in_dim3A_118 : i32 to vector<176x1xi32>
    %scan3A_120 = arith.constant 0 : i32
    %scan3A_121 = arith.constant 15 : i32
    %scan3A_122 = arith.addi %scan3A_120, %scan3A_121 : i32
    %scan3A_123 = arith.constant 1 : i32
    %scan3A_124:2 = scf.for %scan3A_141 = %scan3A_120 to %scan3A_122 step %scan3A_123 iter_args(%scan3A_142 = %broadcast_in_dim3A_117, %scan3A_143 = %broadcast_in_dim3A_119) -> (vector<176x1xi32>, vector<176x1xi32>)  : i32 {
      %add3A_144 = arith.addi %scan3A_142, %scan3A_143 : vector<176x1xi32>
      %shift_right_logical3A = arith.constant 1 : i32
      %shift_right_logical3A_145 = vector.broadcast %shift_right_logical3A : i32 to vector<176x1xi32>
      %shift_right_logical3A_146 = arith.shrui %add3A_144, %shift_right_logical3A_145 : vector<176x1xi32>
      %lt3A = vector.broadcast %shift_right_logical3A_146 : vector<176x1xi32> to vector<176x20480xi32>
      %lt3A_147 = arith.cmpi slt, %iota3A, %lt3A : vector<176x20480xi32>
      %and3A = arith.andi %eq3A_115, %lt3A_147 : vector<176x20480xi1>
      %convert_element_type3A_148 = arith.extui %and3A : vector<176x20480xi1> to vector<176x20480xi32>
      %reduce_sum3A_149 = arith.constant dense<0> : vector<176xi32>
      %reduce_sum3A_150 = vector.multi_reduction <add>, %convert_element_type3A_148, %reduce_sum3A_149 [1] : vector<176x20480xi32> to vector<176xi32>
      %broadcast_in_dim3A_151 = vector.shape_cast %reduce_sum3A_150 : vector<176xi32> to vector<176x1xi32>
      %ge3A = arith.cmpi sge, %broadcast_in_dim3A_151, %sub3A_114 : vector<176x1xi32>
      %select_n3A_152 = arith.select %ge3A, %scan3A_142, %shift_right_logical3A_146 : vector<176x1xi1>, vector<176x1xi32>
      %select_n3A_153 = arith.select %ge3A, %shift_right_logical3A_146, %scan3A_143 : vector<176x1xi1>, vector<176x1xi32>
      scf.yield %select_n3A_152, %select_n3A_153 : vector<176x1xi32>, vector<176x1xi32>
    }
    %le3A = arith.constant 0 : i32
    %le3A_125 = vector.broadcast %le3A : i32 to vector<176x1xi32>
    %le3A_126 = arith.cmpi sle, %sub3A_114, %le3A_125 : vector<176x1xi32>
    %jit3A_127 = arith.constant 0 : i32
    %broadcast_in_dim3A_128 = vector.broadcast %jit3A_127 : i32 to vector<176x1xi32>
    %select_n3A_129 = arith.select %le3A_126, %broadcast_in_dim3A_128, %scan3A_124#1 : vector<176x1xi1>, vector<176x1xi32>
    %bitcast_convert_type3A_130 = tpu.bitcast %scan3A_107#0 : vector<176x1xi32> -> vector<176x1xf32>
    %broadcast_in_dim3A_131 = vector.shape_cast %bitcast_convert_type3A_130 : vector<176x1xf32> to vector<176x1xf32>
    %broadcast_in_dim3A_132 = vector.broadcast %broadcast_in_dim3A_131 : vector<176x1xf32> to vector<176x16xf32>
    %swap3A_133 = arith.constant 0 : index
    %swap3A_134 = arith.constant 0 : index
    %swap3A_135 = vector.load %arg5[%swap3A_133, %swap3A_134] : memref<176x16xf32, #tpu.memory_space<vmem>>, vector<176x16xf32>
    tpu.vector_store %arg5[%swap3A_133, %swap3A_134], %broadcast_in_dim3A_132 {strides = array<i32>} : memref<176x16xf32, #tpu.memory_space<vmem>>, vector<176x16xf32>,
    %broadcast_in_dim3A_136 = vector.shape_cast %select_n3A_129 : vector<176x1xi32> to vector<176x1xi32>
    %broadcast_in_dim3A_137 = vector.broadcast %broadcast_in_dim3A_136 : vector<176x1xi32> to vector<176x16xi32>
    %swap3A_138 = arith.constant 0 : index
    %swap3A_139 = arith.constant 0 : index
    %swap3A_140 = vector.load %arg6[%swap3A_138, %swap3A_139] : memref<176x16xi32, #tpu.memory_space<vmem>>, vector<176x16xi32>
    tpu.vector_store %arg6[%swap3A_138, %swap3A_139], %broadcast_in_dim3A_137 {strides = array<i32>} : memref<176x16xi32, #tpu.memory_space<vmem>>, vector<176x16xi32>,
    return
  }
}

module attributes {stable_mosaic.version = 14 : i64} {
  func.func @_k3_body(%arg0: memref<200x168xf32, #tpu.memory_space<vmem>>, %arg1: memref<4x200x168xf32, #tpu.memory_space<vmem>>, %arg2: memref<200x168xf32, #tpu.memory_space<vmem>>, %arg3: memref<4x200x168xf32, #tpu.memory_space<vmem>>) attributes {dimension_semantics = [], scalar_prefetch = 0 : i64, scratch_operands = 0 : i64, tpu.core_type = #tpu.core_type<tc>} {
    %get3A = arith.constant 0 : index
    %get3A_0 = arith.constant 0 : index
    %get3A_1 = arith.constant 0 : index
    %get3A_2 = vector.load %arg1[%get3A, %get3A_0, %get3A_1] : memref<4x200x168xf32, #tpu.memory_space<vmem>>, vector<1x200x168xf32>
    %get3A_3 = vector.shape_cast %get3A_2 : vector<1x200x168xf32> to vector<200x168xf32>
    %get3A_4 = arith.constant 1 : index
    %get3A_5 = arith.constant 0 : index
    %get3A_6 = arith.constant 0 : index
    %get3A_7 = vector.load %arg1[%get3A_4, %get3A_5, %get3A_6] : memref<4x200x168xf32, #tpu.memory_space<vmem>>, vector<1x200x168xf32>
    %get3A_8 = vector.shape_cast %get3A_7 : vector<1x200x168xf32> to vector<200x168xf32>
    %get3A_9 = arith.constant 2 : index
    %get3A_10 = arith.constant 0 : index
    %get3A_11 = arith.constant 0 : index
    %get3A_12 = vector.load %arg1[%get3A_9, %get3A_10, %get3A_11] : memref<4x200x168xf32, #tpu.memory_space<vmem>>, vector<1x200x168xf32>
    %get3A_13 = vector.shape_cast %get3A_12 : vector<1x200x168xf32> to vector<200x168xf32>
    %get3A_14 = arith.constant 3 : index
    %get3A_15 = arith.constant 0 : index
    %get3A_16 = arith.constant 0 : index
    %get3A_17 = vector.load %arg1[%get3A_14, %get3A_15, %get3A_16] : memref<4x200x168xf32, #tpu.memory_space<vmem>>, vector<1x200x168xf32>
    %get3A_18 = vector.shape_cast %get3A_17 : vector<1x200x168xf32> to vector<200x168xf32>
    %get3A_19 = arith.constant 0 : index
    %get3A_20 = arith.constant 0 : index
    %get3A_21 = vector.load %arg0[%get3A_19, %get3A_20] : memref<200x168xf32, #tpu.memory_space<vmem>>, vector<200x168xf32>
    %sub3A = arith.subf %get3A_13, %get3A_3 : vector<200x168xf32>
    %max3A = arith.constant 0.000000e+00 : f32
    %max3A_22 = vector.broadcast %max3A : f32 to vector<200x168xf32>
    %max3A_23 = arith.maximumf %sub3A, %max3A_22 : vector<200x168xf32>
    %sub3A_24 = arith.subf %get3A_18, %get3A_8 : vector<200x168xf32>
    %max3A_25 = arith.constant 0.000000e+00 : f32
    %max3A_26 = vector.broadcast %max3A_25 : f32 to vector<200x168xf32>
    %max3A_27 = arith.maximumf %sub3A_24, %max3A_26 : vector<200x168xf32>
    %mul3A = arith.mulf %max3A_23, %max3A_27 : vector<200x168xf32>
    %iota3A = tpu.iota {dimensions = array<i32: 0>} : vector<200x168xi32>
    %broadcast_in_dim3A = arith.constant 1.000000e+00 : f32
    %broadcast_in_dim3A_28 = vector.broadcast %broadcast_in_dim3A : f32 to vector<200x168xf32>
    %scan3A = arith.constant 0 : i32
    %scan3A_29 = arith.constant 200 : i32
    %scan3A_30 = arith.addi %scan3A, %scan3A_29 : i32
    %scan3A_31 = arith.constant 1 : i32
    %scan3A_32 = scf.for %scan3A_78 = %scan3A to %scan3A_30 step %scan3A_31 iter_args(%scan3A_79 = %broadcast_in_dim3A_28) -> (vector<200x168xf32>)  : i32 {
      %get3A_80 = arith.constant 0 : index
      %get3A_81 = arith.index_cast %scan3A_78 : i32 to index
      %get3A_82 = arith.constant 0 : index
      %get3A_83 = vector.load %arg1[%get3A_80, %get3A_81, %get3A_82] : memref<4x200x168xf32, #tpu.memory_space<vmem>>, vector<1x1x168xf32>
      %get3A_84 = vector.shape_cast %get3A_83 : vector<1x1x168xf32> to vector<1x168xf32>
      %get3A_85 = arith.constant 1 : index
      %get3A_86 = arith.index_cast %scan3A_78 : i32 to index
      %get3A_87 = arith.constant 0 : index
      %get3A_88 = vector.load %arg1[%get3A_85, %get3A_86, %get3A_87] : memref<4x200x168xf32, #tpu.memory_space<vmem>>, vector<1x1x168xf32>
      %get3A_89 = vector.shape_cast %get3A_88 : vector<1x1x168xf32> to vector<1x168xf32>
      %get3A_90 = arith.constant 2 : index
      %get3A_91 = arith.index_cast %scan3A_78 : i32 to index
      %get3A_92 = arith.constant 0 : index
      %get3A_93 = vector.load %arg1[%get3A_90, %get3A_91, %get3A_92] : memref<4x200x168xf32, #tpu.memory_space<vmem>>, vector<1x1x168xf32>
      %get3A_94 = vector.shape_cast %get3A_93 : vector<1x1x168xf32> to vector<1x168xf32>
      %get3A_95 = arith.constant 3 : index
      %get3A_96 = arith.index_cast %scan3A_78 : i32 to index
      %get3A_97 = arith.constant 0 : index
      %get3A_98 = vector.load %arg1[%get3A_95, %get3A_96, %get3A_97] : memref<4x200x168xf32, #tpu.memory_space<vmem>>, vector<1x1x168xf32>
      %get3A_99 = vector.shape_cast %get3A_98 : vector<1x1x168xf32> to vector<1x168xf32>
      %sub3A_100 = arith.subf %get3A_94, %get3A_84 : vector<1x168xf32>
      %max3A_101 = arith.constant 0.000000e+00 : f32
      %max3A_102 = vector.broadcast %max3A_101 : f32 to vector<1x168xf32>
      %max3A_103 = arith.maximumf %sub3A_100, %max3A_102 : vector<1x168xf32>
      %sub3A_104 = arith.subf %get3A_99, %get3A_89 : vector<1x168xf32>
      %max3A_105 = arith.constant 0.000000e+00 : f32
      %max3A_106 = vector.broadcast %max3A_105 : f32 to vector<1x168xf32>
      %max3A_107 = arith.maximumf %sub3A_104, %max3A_106 : vector<1x168xf32>
      %mul3A_108 = arith.mulf %max3A_103, %max3A_107 : vector<1x168xf32>
      %eq3A = vector.broadcast %scan3A_78 : i32 to vector<200x168xi32>
      %eq3A_109 = arith.cmpi eq, %iota3A, %eq3A : vector<200x168xi32>
      %jit3A_110 = arith.constant 1.000000e+00 : f32
      %jit3A_111 = arith.constant 0.000000e+00 : f32
      %broadcast_in_dim3A_112 = vector.broadcast %jit3A_110 : f32 to vector<200x168xf32>
      %broadcast_in_dim3A_113 = vector.broadcast %jit3A_111 : f32 to vector<200x168xf32>
      %select_n3A_114 = arith.select %eq3A_109, %broadcast_in_dim3A_112, %broadcast_in_dim3A_113 : vector<200x168xi1>, vector<200x168xf32>
      %mul3A_115 = arith.mulf %scan3A_79, %select_n3A_114 : vector<200x168xf32>
      %reduce_sum3A = arith.constant dense<0.000000e+00> : vector<168xf32>
      %reduce_sum3A_116 = vector.multi_reduction <add>, %mul3A_115, %reduce_sum3A [0] : vector<200x168xf32> to vector<168xf32>
      %broadcast_in_dim3A_117 = vector.shape_cast %reduce_sum3A_116 : vector<168xf32> to vector<1x168xf32>
      %gt3A_118 = arith.constant 0.000000e+00 : f32
      %gt3A_119 = vector.broadcast %gt3A_118 : f32 to vector<1x168xf32>
      %gt3A_120 = arith.cmpf ogt, %broadcast_in_dim3A_117, %gt3A_119 : vector<1x168xf32>
      %max3A_121 = vector.broadcast %get3A_84 : vector<1x168xf32> to vector<200x168xf32>
      %max3A_122 = arith.maximumf %get3A_3, %max3A_121 : vector<200x168xf32>
      %max3A_123 = vector.broadcast %get3A_89 : vector<1x168xf32> to vector<200x168xf32>
      %max3A_124 = arith.maximumf %get3A_8, %max3A_123 : vector<200x168xf32>
      %min3A = vector.broadcast %get3A_94 : vector<1x168xf32> to vector<200x168xf32>
      %min3A_125 = arith.minimumf %get3A_13, %min3A : vector<200x168xf32>
      %min3A_126 = vector.broadcast %get3A_99 : vector<1x168xf32> to vector<200x168xf32>
      %min3A_127 = arith.minimumf %get3A_18, %min3A_126 : vector<200x168xf32>
      %sub3A_128 = arith.subf %min3A_125, %max3A_122 : vector<200x168xf32>
      %max3A_129 = arith.constant 0.000000e+00 : f32
      %max3A_130 = vector.broadcast %max3A_129 : f32 to vector<200x168xf32>
      %max3A_131 = arith.maximumf %sub3A_128, %max3A_130 : vector<200x168xf32>
      %sub3A_132 = arith.subf %min3A_127, %max3A_124 : vector<200x168xf32>
      %max3A_133 = arith.constant 0.000000e+00 : f32
      %max3A_134 = vector.broadcast %max3A_133 : f32 to vector<200x168xf32>
      %max3A_135 = arith.maximumf %sub3A_132, %max3A_134 : vector<200x168xf32>
      %mul3A_136 = arith.mulf %max3A_131, %max3A_135 : vector<200x168xf32>
      %add3A = vector.broadcast %mul3A_108 : vector<1x168xf32> to vector<200x168xf32>
      %add3A_137 = arith.addf %mul3A, %add3A : vector<200x168xf32>
      %sub3A_138 = arith.subf %add3A_137, %mul3A_136 : vector<200x168xf32>
      %max3A_139 = arith.constant 9.99999971E-10 : f32
      %max3A_140 = vector.broadcast %max3A_139 : f32 to vector<200x168xf32>
      %max3A_141 = arith.maximumf %sub3A_138, %max3A_140 : vector<200x168xf32>
      %div3A = arith.divf %mul3A_136, %max3A_141 : vector<200x168xf32>
      %gt3A_142 = arith.constant 4.500000e-01 : f32
      %gt3A_143 = vector.broadcast %gt3A_142 : f32 to vector<200x168xf32>
      %gt3A_144 = arith.cmpf ogt, %div3A, %gt3A_143 : vector<200x168xf32>
      %gt3A_145 = vector.broadcast %scan3A_78 : i32 to vector<200x168xi32>
      %gt3A_146 = arith.cmpi sgt, %iota3A, %gt3A_145 : vector<200x168xi32>
      %and3A_147 = arith.andi %gt3A_144, %gt3A_146 : vector<200x168xi1>
      %and3A_148 = vector.broadcast %gt3A_120 : vector<1x168xi1> to vector<200x168xi1>
      %and3A_149 = arith.andi %and3A_147, %and3A_148 : vector<200x168xi1>
      %jit3A_150 = arith.constant 0.000000e+00 : f32
      %broadcast_in_dim3A_151 = vector.broadcast %jit3A_150 : f32 to vector<200x168xf32>
      %select_n3A_152 = arith.select %and3A_149, %broadcast_in_dim3A_151, %scan3A_79 : vector<200x168xi1>, vector<200x168xf32>
      scf.yield %select_n3A_152 : vector<200x168xf32>
    }
    %scan3A_33 = arith.constant 200 : i32
    %gt3A = arith.constant 0.000000e+00 : f32
    %gt3A_34 = vector.broadcast %gt3A : f32 to vector<200x168xf32>
    %gt3A_35 = arith.cmpf ogt, %scan3A_32, %gt3A_34 : vector<200x168xf32>
    %gt3A_36 = arith.constant 0.000000e+00 : f32
    %gt3A_37 = vector.broadcast %gt3A_36 : f32 to vector<200x168xf32>
    %gt3A_38 = arith.cmpf ogt, %get3A_21, %gt3A_37 : vector<200x168xf32>
    %and3A = arith.andi %gt3A_35, %gt3A_38 : vector<200x168xi1>
    %jit3A = arith.constant 0.000000e+00 : f32
    %broadcast_in_dim3A_39 = vector.broadcast %jit3A : f32 to vector<200x168xf32>
    %select_n3A = arith.select %and3A, %get3A_21, %broadcast_in_dim3A_39 : vector<200x168xi1>, vector<200x168xf32>
    %swap3A = arith.constant 0 : index
    %swap3A_40 = arith.constant 0 : index
    %swap3A_41 = vector.load %arg2[%swap3A, %swap3A_40] : memref<200x168xf32, #tpu.memory_space<vmem>>, vector<200x168xf32>
    tpu.vector_store %arg2[%swap3A, %swap3A_40], %select_n3A {strides = array<i32>} : memref<200x168xf32, #tpu.memory_space<vmem>>, vector<200x168xf32>,
    %jit3A_42 = arith.constant 0.000000e+00 : f32
    %broadcast_in_dim3A_43 = vector.broadcast %jit3A_42 : f32 to vector<200x168xf32>
    %select_n3A_44 = arith.select %and3A, %get3A_3, %broadcast_in_dim3A_43 : vector<200x168xi1>, vector<200x168xf32>
    %swap3A_45 = arith.constant 0 : index
    %swap3A_46 = arith.constant 0 : index
    %swap3A_47 = arith.constant 0 : index
    %swap3A_48 = vector.load %arg3[%swap3A_45, %swap3A_46, %swap3A_47] : memref<4x200x168xf32, #tpu.memory_space<vmem>>, vector<1x200x168xf32>
    %swap3A_49 = vector.shape_cast %swap3A_48 : vector<1x200x168xf32> to vector<200x168xf32>
    %swap3A_50 = vector.shape_cast %select_n3A_44 : vector<200x168xf32> to vector<1x200x168xf32>
    tpu.vector_store %arg3[%swap3A_45, %swap3A_46, %swap3A_47], %swap3A_50 {strides = array<i32>} : memref<4x200x168xf32, #tpu.memory_space<vmem>>, vector<1x200x168xf32>,
    %jit3A_51 = arith.constant 0.000000e+00 : f32
    %broadcast_in_dim3A_52 = vector.broadcast %jit3A_51 : f32 to vector<200x168xf32>
    %select_n3A_53 = arith.select %and3A, %get3A_8, %broadcast_in_dim3A_52 : vector<200x168xi1>, vector<200x168xf32>
    %swap3A_54 = arith.constant 1 : index
    %swap3A_55 = arith.constant 0 : index
    %swap3A_56 = arith.constant 0 : index
    %swap3A_57 = vector.load %arg3[%swap3A_54, %swap3A_55, %swap3A_56] : memref<4x200x168xf32, #tpu.memory_space<vmem>>, vector<1x200x168xf32>
    %swap3A_58 = vector.shape_cast %swap3A_57 : vector<1x200x168xf32> to vector<200x168xf32>
    %swap3A_59 = vector.shape_cast %select_n3A_53 : vector<200x168xf32> to vector<1x200x168xf32>
    tpu.vector_store %arg3[%swap3A_54, %swap3A_55, %swap3A_56], %swap3A_59 {strides = array<i32>} : memref<4x200x168xf32, #tpu.memory_space<vmem>>, vector<1x200x168xf32>,
    %jit3A_60 = arith.constant 0.000000e+00 : f32
    %broadcast_in_dim3A_61 = vector.broadcast %jit3A_60 : f32 to vector<200x168xf32>
    %select_n3A_62 = arith.select %and3A, %get3A_13, %broadcast_in_dim3A_61 : vector<200x168xi1>, vector<200x168xf32>
    %swap3A_63 = arith.constant 2 : index
    %swap3A_64 = arith.constant 0 : index
    %swap3A_65 = arith.constant 0 : index
    %swap3A_66 = vector.load %arg3[%swap3A_63, %swap3A_64, %swap3A_65] : memref<4x200x168xf32, #tpu.memory_space<vmem>>, vector<1x200x168xf32>
    %swap3A_67 = vector.shape_cast %swap3A_66 : vector<1x200x168xf32> to vector<200x168xf32>
    %swap3A_68 = vector.shape_cast %select_n3A_62 : vector<200x168xf32> to vector<1x200x168xf32>
    tpu.vector_store %arg3[%swap3A_63, %swap3A_64, %swap3A_65], %swap3A_68 {strides = array<i32>} : memref<4x200x168xf32, #tpu.memory_space<vmem>>, vector<1x200x168xf32>,
    %jit3A_69 = arith.constant 0.000000e+00 : f32
    %broadcast_in_dim3A_70 = vector.broadcast %jit3A_69 : f32 to vector<200x168xf32>
    %select_n3A_71 = arith.select %and3A, %get3A_18, %broadcast_in_dim3A_70 : vector<200x168xi1>, vector<200x168xf32>
    %swap3A_72 = arith.constant 3 : index
    %swap3A_73 = arith.constant 0 : index
    %swap3A_74 = arith.constant 0 : index
    %swap3A_75 = vector.load %arg3[%swap3A_72, %swap3A_73, %swap3A_74] : memref<4x200x168xf32, #tpu.memory_space<vmem>>, vector<1x200x168xf32>
    %swap3A_76 = vector.shape_cast %swap3A_75 : vector<1x200x168xf32> to vector<200x168xf32>
    %swap3A_77 = vector.shape_cast %select_n3A_71 : vector<200x168xf32> to vector<1x200x168xf32>
    tpu.vector_store %arg3[%swap3A_72, %swap3A_73, %swap3A_74], %swap3A_77 {strides = array<i32>} : memref<4x200x168xf32, #tpu.memory_space<vmem>>, vector<1x200x168xf32>,
    return
  }
}

</mosaic_0001>

<sc_bundles>
// kernel: kernel.5.cloned.1.call-start
scs
__scs_entry_jumppad:
0x0: {  	(pc) =	sbr.rel $0x88, $3  }
0x1: {  	(tag) =	ssettag $0x0;
	lr =	simm.s32 $0x1  }
0x2: {  	[smem:$0x3F9E] =	sst lr;
	_ =	strace $0xD0000000  }
0x3: {  	_ = 	snop  }
0x4: {  	_ = 	snop  }
0x5: {  	_ = 	snop  }
0x6: {  	_ = 	snop  }
0x7: {  	_ = 	snop  }
__scs_overlays_trampoline_lowered:
0x8: {  	[smem:$0x3FAD] =	sst s0  }
0x9: {  	[smem:$0x3FAE] =	sst s1  }
0xa: {  	[smem:$0x3FAF] =	sst s2  }
0xb: {  	[smem:$0x3FB0] =	sst s3  }
0xc: {  	[smem:$0x3FB1] =	sst s4  }
0xd: {  	[smem:$0x3FB2] =	sst s5  }
0xe: {  	[smem:$0x3FB3] =	sst s6  }
0xf: {  	[smem:$0x3FB4] =	sst s7  }
0x10: {  	[smem:$0x3FB5] =	sst s8  }
0x11: {  	[smem:$0x3FB6] =	sst s9;
	s0 =	simm.s32 @!p0 $0x0  }
0x12: {  	s1 =	sld [smem:$0x3F9C];
	s0 =	simm.s32 @p0 $0x1  }
0x13: {  	[smem:$0x3FB7] =	sst s0;
	s0 =	simm.s32 @!p1 $0x0  }
0x14: {  	s2 =	sld [smem:$0x3F9B];
	s0 =	simm.s32 @p1 $0x1  }
0x15: {  	[smem:$0x3FB8] =	sst s0;
	s0 =	simm.s32 @!p2 $0x0  }
0x16: {  	s3 =	sld [smem:$0x3FDB];
	s0 =	simm.s32 @p2 $0x1  }
0x17: {  	s4 =	simm.s32 $0x1BF5;
	[smem:$0x3FBA] =	sst s0  }
0x18: {  	s0 =	sld [smem:$0x3F9D];
	_ =	swait.ge [sflag:s4], $0x0  }
0x19: {  	s7 =	sld [smem:$0x3F9E]  }
0x1a: {  	s8 =	sadd.s32 $0xFFFFE003, lr  }
0x1b: {  	s9 =	sadd.s32 $0xFFFFFEF7, lr;
	s5 =	simm.s32 $0xFFFFFFFF;
	p2 =	slt.u32 s8, $0xFFFFF086  }
0x1c: {  	p1 =	slt.u32 s9, $0xF7A;
	s5 =	simm.s32 @!p2 $0x0  }
0x1d: {  	s5 =	simm.s32 @p1 $0x1;
	p0 =	seq.s32 s7, s2  }
0x1e: {  	s7 =	smul.u32 @!p0 $0xF7A, s2;
	p2 =	seq.s32 @!p0 s5, $0x0  }
0x1f: {  	s9 =	smul.u32 $0xF7A, s1;
	s8 =	simm.s32 @!p0 $0x1BF5;
	p2 =	por !p2, p0  }
0x20: {  	[sflag:s8] =	ssyncset.s32 @!p0 $0xFFFFF086;
	s6 =	sadd.s32 @!p0 s3, s7;
	s7 =	simm.s32 @!p0 $0x108  }
0x21: {  	s3 =	sadd.s32 s3, s9;
	s6 =	sadd.s32 @!p0 $0x88, s6;
	s7 =	simm.s32 @p2 $0x1082  }
0x22: {  	[simem:s7], [sflag:s8] =	dma.local @!p0 [hbm:s6], $0xF7A  }
0x23: {  	s9 =	sor.u32 $0xD0000000, s2;
	s6 =	simm.s32 $0x108;
	_ =	swait.ge @!p0 [sflag:s8], $0x0  }
0x24: {  	s3 =	sadd.s32 $0x88, s3;
	s6 =	simm.s32 @!p1 $0x1082;
	[sflag:s4] =	ssyncset.s32 $0xFFFFF086  }
0x25: {  	[simem:s6], [sflag:s4] =	dma.local [hbm:s3], $0xF7A  }
0x26: {  	[smem:$0x3F9E] =	sst s1;
	(tag) =	ssettag s2;
	_ =	strace s9  }
0x27: {  	s1 =	sld [smem:$0x3FAE]  }
0x28: {  	s2 =	sld [smem:$0x3FAF]  }
0x29: {  	s4 =	sld [smem:$0x3FB1]  }
0x2a: {  	p0 =	seq.s32 s5, $0x0;
	s5 =	sld [smem:$0x3FB2]  }
0x2b: {  	s6 =	sld [smem:$0x3FB3]  }
0x2c: {  	s7 =	sld [smem:$0x3FB4]  }
0x2d: {  	s3 =	simm.s32 $0x108;
	s8 =	sld [smem:$0x3FB5]  }
0x2e: {  	s3 =	simm.s32 @!p0 $0x1082;
	s9 =	sld [smem:$0x3FB6]  }
0x2f: {  	lr =	sadd.s32 s0, s3;
	s0 =	sld [smem:$0x3FAD]  }
0x30: {  	s3 =	sld [smem:$0x3FB0]  }
0x31: {  	[smem:$0x3FB9] =	sst s10  }
0x32: {  	s10 =	sld [smem:$0x3FB7];
	_ =	sdelay $0x3  }
0x33: {  	p0 =	seq.s32 s10, $0x1;
	s10 =	sld [smem:$0x3FB9];
	_ =	sdelay $0x3  }
0x34: {  	[smem:$0x3FB9] =	sst s10  }
0x35: {  	s10 =	sld [smem:$0x3FB8];
	_ =	sdelay $0x3  }
0x36: {  	p1 =	seq.s32 s10, $0x1;
	s10 =	sld [smem:$0x3FB9];
	_ =	sdelay $0x3  }
0x37: {  	[smem:$0x3FB9] =	sst s10  }
0x38: {  	s10 =	sld [smem:$0x3FBA]  }
0x39: {  	_ = 	snop;
	(pc) =	sbr.ind lr, $3  }
0x3a: {  	_ = 	snop  }
0x3b: {  	_ = 	snop  }
0x3c: {  	p2 =	seq.s32 s10, $0x1;
	s10 =	sld [smem:$0x3FB9]  }
0x3d: {  	_ =	shalt  }
0x3e: {  	_ =	shalt  }
0x3f: {  	_ =	shalt  }
0x40: {  	_ =	shalt  }
0x41: {  	_ =	shalt  }
0x42: {  	_ =	shalt  }
0x43: {  	_ =	shalt  }
0x44: {  	_ =	shalt  }
0x45: {  	_ =	shalt  }
0x46: {  	_ =	shalt  }
0x47: {  	_ =	shalt  }
0x48: {  	_ =	shalt  }
0x49: {  	_ =	shalt  }
0x4a: {  	_ =	shalt  }
0x4b: {  	_ =	shalt  }
0x4c: {  	_ =	shalt  }
0x4d: {  	_ =	shalt  }
0x4e: {  	_ =	shalt  }
0x4f: {  	_ =	shalt  }
0x50: {  	_ =	shalt  }
0x51: {  	_ =	shalt  }
0x52: {  	_ =	shalt  }
0x53: {  	_ =	shalt  }
0x54: {  	_ =	shalt  }
0x55: {  	_ =	shalt  }
0x56: {  	_ =	shalt  }
0x57: {  	_ =	shalt  }
0x58: {  	_ =	shalt  }
0x59: {  	_ =	shalt  }
0x5a: {  	_ =	shalt  }
0x5b: {  	_ =	shalt  }
0x5c: {  	_ =	shalt  }
0x5d: {  	_ =	shalt  }
0x5e: {  	_ =	shalt  }
0x5f: {  	_ =	shalt  }
0x60: {  	_ =	shalt  }
0x61: {  	_ =	shalt  }
0x62: {  	_ =	shalt  }
0x63: {  	_ =	shalt  }
0x64: {  	_ =	shalt  }
0x65: {  	_ =	shalt  }
0x66: {  	_ =	shalt  }
0x67: {  	_ =	shalt  }
0x68: {  	_ =	shalt  }
0x69: {  	_ =	shalt  }
0x6a: {  	_ =	shalt  }
0x6b: {  	_ =	shalt  }
0x6c: {  	_ =	shalt  }
0x6d: {  	_ =	shalt  }
0x6e: {  	_ =	shalt  }
0x6f: {  	_ =	shalt  }
0x70: {  	_ =	shalt  }
0x71: {  	_ =	shalt  }
0x72: {  	_ =	shalt  }
0x73: {  	_ =	shalt  }
0x74: {  	_ =	shalt  }
0x75: {  	_ =	shalt  }
0x76: {  	_ =	shalt  }
0x77: {  	_ =	shalt  }
0x78: {  	_ =	shalt  }
0x79: {  	_ =	shalt  }
0x7a: {  	_ =	shalt  }
0x7b: {  	_ =	shalt  }
0x7c: {  	_ =	shalt  }
0x7d: {  	_ =	shalt  }
0x7e: {  	_ =	shalt  }
0x7f: {  	_ =	shalt  }
0x80: {  	_ =	shalt  }
0x81: {  	_ =	shalt  }
0x82: {  	_ =	shalt  }
0x83: {  	_ =	shalt  }
0x84: {  	_ =	shalt  }
0x85: {  	_ =	shalt  }
0x86: {  	_ =	shalt  }
0x87: {  	_ =	shalt  }
.Lfunc_end0:
.L_simem_size_0:
called_computation_lowered:
.L_overlay_start_0:
0x88: {  	s2 =	sld [smem:$0x3FD9]  }
0x89: {  	s3 =	sld [smem:$0x3FFE];
	_ =	sdelay $0x1  }
0x8a: {  	s1 =	srdreg.scid  }
0x8b: {  	s0 =	sand.u32 $0x1, s1  }
0x8c: {  	s14 =	sshll.u32 s0, $0xA;
	s2 =	sadd.s32 s3, s2  }
0x8d: {  	s2 =	sadd.s32 s2, s14  }
0x8e: {  	[smem:$0x3FC5] =	sst s2  }
0x8f: {  	_ = 	snop  }
0x90: {  	s2 =	sld [smem:$0x3FD0];
	_ =	sdelay $0x2  }
0x91: {  	s15 =	simm.s32 $0xA;
	s4 =	simm.s32 $0x10  }
0x92: {  	[smem:s4], [sflag:s15] =	dma.local [hbm:s2], $0x1  }
0x93: {  	_ =	swait.eq [sflag:s15], $0x1  }
0x94: {  	[sflag:s15] =	ssyncset.done $0x0  }
0x95: {  	s16 =	sld [smem:$0x10];
	[sflag:s15] =	ssyncadd.s32 $0xFFFFFFFF  }
0x96: {  	s17 =	sld [smem:$0x11];
	(tm) =	ssettm $0x1  }
0x97: {  	s18 =	sld [smem:$0x3FFB];
	_ =	sdelay $0x3  }
0x98: {  	_ =	strace s18  }
0x99: {  	s4 =	sld [smem:$0x3FFC];
	_ =	sdelay $0x3  }
0x9a: {  	_ =	strace s4  }
0x9b: {  	s4 =	sld [smem:$0x3FFD];
	_ =	sdelay $0x3  }
0x9c: {  	_ =	strace s4  }
0x9d: {  	_ =	strace $0x8FFFFFFF  }
0x9e: {  	s19 =	sld [smem:$0x3FDB];
	_ =	sdelay $0x1  }
0x9f: {  	s5 =	simm.s32 $_scs_section_size  }
0xa0: {  	s6 =	simm.s32 $_size__tile_overlayer_lowered;
	s7 =	simm.s32 $_tile_overlayer_lowered  }
0xa1: {  	s22 =	simm.s32 $0x1BFF;
	s21 =	sshll.u32 s7, $0x1;
	s4 =	sadd.s32 s5, s19  }
0xa2: {  	s8 =	simm.s32 $0x0;
	s20 =	sshll.u32 s6, $0x1;
	s6 =	sadd.s32 s21, s4  }
0xa3: {  	[timem:s8], [sflag:s22] =	dma.local [hbm:s6], s20  }
0xa4: {  	_ =	swait.ge [sflag:s22], s20  }
0xa5: {  	s5 =	ssub.s32 $0x0, s20;
	[sflag:s22] =	ssyncset.done $0x0  }
0xa6: {  	[sflag:s22] =	ssyncadd.s32 s5;
	_ =	sdelay $0x1  }
0xa7: {  	s23 =	simm.s32 $0x1B8B  }
0xa8: {  	_ =	swait.ge [sflag:s23], $0x1  }
0xa9: {  	[sflag:s23] =	ssyncset.done $0x0  }
0xaa: {  	s25 =	simm.s32 $0x1B8E;
	s24 =	sld [smem:$0x3FFE];
	[sflag:s23] =	ssyncadd.s32 $0xFFFFFFFF  }
0xab: {  	s26 =	simm.s32 $execute0_lowered;
	[smem:$0x3FD2] =	sst s25  }
0xac: {  	s6 =	sshll.u32 s26, $0x1;
	_ =	strace $0x80000046;
	[dreg:$0x1] =	wrdreg $0xFFFFFFFF  }
0xad: {  	s28 =	simm.s32 $_size_execute0_lowered;
	s4 =	sadd.s32 s4, s6;
	[dreg:$0x0] =	wrdreg $0x0  }
0xae: {  	s6 =	sshll.u32 s28, $0x1;
	[dreg:$0x2] =	wrdreg s4  }
0xaf: {  	[dreg:$0x3] =	wrdreg s6  }
0xb0: {  	[dreg:$0x4] =	wrdreg $0xC0  }
0xb1: {  	_ =	task [dreg:s8], $0x5FFFF  }
0xb2: {  	[dreg:$0x1] =	wrdreg $0xFFFFFFFF  }
0xb3: {  	[dreg:$0x0] =	wrdreg $0x60  }
0xb4: {  	[dreg:$0x2] =	wrdreg s24  }
0xb5: {  	[dreg:$0x3] =	wrdreg s16  }
0xb6: {  	[dreg:$0x4] =	wrdreg s17  }
0xb7: {  	[dreg:$0x5] =	wrdreg $0x9  }
0xb8: {  	_ =	task.clear_ibuf [dreg:s8], $0x6FFFF;
	_ =	strace $0x90000046  }
0xb9: {  	s29 =	simm.s32 $0x9;
	_ =	strace $0x80000048  }
0xba: {  	_ =	swait.ge [sflag:s29], $0x1  }
0xbb: {  	[sflag:s29] =	ssyncadd.s32 $0xFFFFFFFF  }
0xbc: {  	_ =	strace $0x90000048  }
0xbd: {  	_ =	sfence  }
0xbe: {  	s30 =	sld [smem:$0x0];
	_ =	sdelay $0x2  }
0xbf: {  	s31 =	sshll.u32 s1, $0xD;
	s1 =	sshrl.u32 s1, $0x2  }
0xc0: {  	s3 =	sand.u32 $0x4000, s31;
	s1 =	sadd.s32 s1, s30  }
0xc1: {  	s0 =	sor.u32 s3, s0;
	s1 =	sshll.u32 s1, $0x11  }
0xc2: {  	s0 =	sor.u32 s1, s0  }
0xc3: {  	s0 =	sadd.s32 $0x8F2B, s0  }
0xc4: {  	[sflag:s0] =	ssyncadd.remote.s32 $0x1  }
0xc5: {  	_ =	sfence.sel $0xFFFF  }
0xc6: {  	[dreg:$0x0] =	wrdreg $0xFFFFFFFF;
	(pc) =	sbr.abs _section_cstart, $3  }
0xc7: {  	[dreg:$0x1] =	wrdreg $0xFFFFFFFF  }
0xc8: {  	_ =	task.clear_ibuf [dreg:s8], $0x2FFFF;
	_ =	strace $0x9FFFFFFF  }
0xc9: {  	(tm) =	ssettm $0x7FFFFFFF  }
tec
execute0_lowered:
.L_overlay_start_1:
0x0: {  	(tag) =	ssettag $0x1  }
0x1: {  	s0 =	rddreg [dreg:$0x0];
	s6 =	simm.s32 $0x0  }
0x2: {  	s5 =	stileid.u32;
	s1 =	srdreg.scid;
	s17 =	simm.s32 $0x400  }
0x3: {  	s18 =	simm.s32 $0x5500;
	s28 =	simm.s32 $0x5200;
	s29 =	simm.s32 $0x5300  }
0x4: {  	s30 =	simm.s32 $0x5400;
	[smem:$0x7FF] =	sst s6;
	s2 =	sadd.s32 $0x1200, s0  }
0x5: {  	s20 =	sshrl.u32 s5, $0x1;
	s9 =	sand.u32 $0x1, s1;
	s21 =	sadd.s32 $0x6F200, s0  }
0x6: {  	s5 =	sshll.u32 s5, $0x1;
	_ =	strace $0x80000047;
	[dreg:$0x5] =	wrdreg s2  }
0x7: {  	s8 =	sadd.s32 $0x83E00, s0;
	[dreg:$0x6] =	wrdreg s21;
	s22 =	sshll.u32 s20, $0x4  }
0x8: {  	s3 =	ssub.s32 $0x2, s9;
	s16 =	sand.u32 $0x2, s5;
	s31 =	smul.u32 $0x15, s20  }
0x9: {  	s2 =	simm.s32 $0x80;
	s20 =	simm.s32 $0xA500;
	s1 =	sadd.s32 s22, s0  }
0xa: {  	s21 =	simm.s32 $0xF500;
	s24 =	sadd.s32 $0x6FE00, s1;
	[dreg:$0xb] =	wrdreg s31  }
.Ltmp0:
0xb: {  	s25 =	sadd.s32 $0x74E00, s1;
	[dreg:$0x7] =	wrdreg s24;
	(pc) =	sbr.rel .LBB2_1-.Ltmp0, $4  }
0xc: {  	s4 =	sshrl.u32 s3, $0x1;
	s26 =	sadd.s32 $0x79E00, s1;
	[dreg:$0x8] =	wrdreg s25  }
0xd: {  	s23 =	ssub.s32 s3, s4;
	s1 =	sadd.s32 $0x7EE00, s1;
	[dreg:$0x9] =	wrdreg s26  }
0xe: {  	v0 =	vlaneseq.u32;
	v1 =	vimm.s32 $0x0;
	s22 =	simm.s32 $0x14500;
	[dreg:$0xa] =	wrdreg s1;
	s0 =	smax.u32 s23, $0x1  }
0xf: {  	v2 =	vimm.f32 $-1.000000000e+00;
	v3 =	vadd.s32 $0xC8, v0;
	v4 =	vor.u32 $0xD0, v0;
	s23 =	simm.s32 $0x2;
	s26 =	simm.s32 $0x5100;
	[dreg:$0xc] =	wrdreg s0  }
.LBB2_23:
0x10: {  	s6 =	rddreg [dreg:$0x4]  }
0x11: {  	s0 =	rddreg [dreg:$0xc];
	s6 =	sadd.s32 $0x1, s6  }
0x12: {  	p0 =	sne.s32 s6, s0  }
.Ltmp1:
0x13: {  	_ = 	snop;
	(pc) =	sbr.rel @!p0 .LBB2_24-.Ltmp1, $1  }
0x14: {  	_ =	sdelay $0x3  }
.LBB2_1:
0x15: {  	[dreg:$0x4] =	wrdreg s6  }
0x16: {  	s0 =	rddreg [dreg:$0x7];
	s1 =	simm.s32 $0x1  }
0x17: {  	[tilespmem:s18], [sflag:$0x1] =	stream.strided.gather [hbm4b:s0+s2], $0x5000, s17, s2, $0x38;
	[tilespmem:$0x19F00] =	vst v63  }
0x18: {  	_ =	swait.ge [sflag:s1], $0x5000  }
0x19: {  	[sflag:s1] =	ssyncset.done $0x0  }
0x1a: {  	s24 =	rddreg [dreg:$0x8];
	[sflag:s1] =	ssyncadd.s32 $0xFFFFB000  }
0x1b: {  	[tilespmem:s20], [sflag:$0x1] =	stream.strided.gather [hbm4b:s24+s2], $0x5000, s17, s2, $0x38;
	[tilespmem:$0x19F00] =	vst v63  }
0x1c: {  	_ =	swait.ge [sflag:s1], $0x5000  }
0x1d: {  	[sflag:s1] =	ssyncset.done $0x0  }
0x1e: {  	s25 =	rddreg [dreg:$0x9];
	[sflag:s1] =	ssyncadd.s32 $0xFFFFB000  }
0x1f: {  	[tilespmem:s21], [sflag:$0x1] =	stream.strided.gather [hbm4b:s25+s2], $0x5000, s17, s2, $0x38;
	[tilespmem:$0x19F00] =	vst v63  }
0x20: {  	_ =	swait.ge [sflag:s1], $0x5000  }
0x21: {  	[sflag:s1] =	ssyncset.done $0x0  }
.Ltmp2:
0x22: {  	s31 =	rddreg [dreg:$0xa];
	[sflag:s1] =	ssyncadd.s32 $0xFFFFB000;
	(pc) =	sbr.rel .LBB2_2-.Ltmp2, $4  }
0x23: {  	[tilespmem:s22], [sflag:$0x1] =	stream.strided.gather [hbm4b:s31+s2], $0x5000, s17, s2, $0x38;
	[tilespmem:$0x19F00] =	vst v63  }
0x24: {  	_ =	swait.ge [sflag:s1], $0x5000  }
0x25: {  	[sflag:s1] =	ssyncset.done $0x0  }
0x26: {  	s11 =	simm.s32 $0x0;
	[sflag:s1] =	ssyncadd.s32 $0xFFFFB000  }
.LBB2_22:
0x27: {  	s11 =	sadd.s32 $0x1, s11  }
0x28: {  	p0 =	sne.s32 s11, $0x6  }
.Ltmp3:
0x29: {  	_ = 	snop;
	(pc) =	sbr.rel @!p0 .LBB2_23-.Ltmp3, $1  }
0x2a: {  	_ =	sdelay $0x3  }
.LBB2_2:
0x2b: {  	s0 =	sshll.u32 s11, $0x2  }
0x2c: {  	s0 =	sor.u32 s0, s16  }
0x2d: {  	s0 =	sor.u32 s9, s0  }
0x2e: {  	p0 =	sgt.u32 s0, $0x14  }
.Ltmp4:
0x2f: {  	_ = 	snop;
	(pc) =	sbr.rel @p0 .LBB2_22-.Ltmp4, $1  }
0x30: {  	_ =	sdelay $0x3  }
0x31: {  	s1 =	rddreg [dreg:$0xb]  }
0x32: {  	s0 =	sadd.s32 s1, s0  }
0x33: {  	s12 =	sshrl.u32 s0, $0x3  }
0x34: {  	s0 =	sshll.u32 s0, $0x7;
	s24 =	smul.u32 $0x28000, s12  }
0x35: {  	s13 =	sand.u32 $0x380, s0  }
0x36: {  	s0 =	sor.u32 s13, s24  }
0x37: {  	s25 =	rddreg [dreg:$0x5];
	s0 =	sshrl.u32 s0, $0x3  }
0x38: {  	s4 =	simm.s32 $0x0;
	s0 =	sadd.s32 s25, s0  }
0x39: {  	[tilespmem:s4], [sflag:$0x2] =	stream.strided.gather [hbm4b:s0+s2], $0x5000, s17, s2, $0x38;
	[tilespmem:$0x19F00] =	vst v63  }
0x3a: {  	_ =	swait.ge [sflag:s23], $0x5000  }
0x3b: {  	s3 =	sshll.u32 s12, $0xA;
	[sflag:s23] =	ssyncset.done $0x0  }
0x3c: {  	s0 =	sor.u32 s13, s3;
	[sflag:s23] =	ssyncadd.s32 $0xFFFFB000  }
0x3d: {  	s0 =	sshrl.u32 s0, $0x3;
	s5 =	rddreg [dreg:$0x1]  }
0x3e: {  	s6 =	simm.s32 $0x5000;
	s1 =	sadd.s32 s5, s0  }
0x3f: {  	[tilespmem:s6], [sflag:$0x2] =	stream.linear.gather [hbm4b:s1+s4], $0x80, $0x38;
	[tilespmem:$0x19F00] =	vst v63  }
0x40: {  	_ =	swait.ge [sflag:s23], $0x80  }
0x41: {  	[sflag:s23] =	ssyncset.done $0x0;
	s7 =	rddreg [dreg:$0x6]  }
0x42: {  	s10 =	simm.s32 $0x5080;
	[sflag:s23] =	ssyncadd.s32 $0xFFFFFF80;
	s0 =	sadd.s32 s7, s0  }
0x43: {  	[tilespmem:s10], [sflag:$0x2] =	stream.linear.gather [hbm4b:s0+s4], $0x80, $0x38;
	[tilespmem:$0x19F00] =	vst v63  }
0x44: {  	_ =	swait.ge [sflag:s23], $0x80  }
0x45: {  	[sflag:s23] =	ssyncset.done $0x0  }
0x46: {  	[sflag:s23] =	ssyncadd.s32 $0xFFFFFF80  }
0x47: {  	v5 =	vld [tilespmem:$0x5000]  }
0x48: {  	v6 =	vld [tilespmem:$0x5080]  }
0x49: {  	v7 =	vld [tilespmem:s4+$0x0];
	_ =	sdelay $0x3  }
0x4a: {  	v8 =	vor.u32 s4, v0  }
0x4b: {  	vm0 =	veq.f32 v7, v5;
	vm1 =	vlt.s32 v8, v6  }
0x4c: {  	vm2 =	vgt.f32 v7, v5;
	vm0 =	vmand vm1, vm0  }
0x4d: {  	s14 =	simm.s32 $0x1400;
	vm0 =	vmor vm2, vm0  }
0x4e: {  	s15 =	sand.u32 $0x3F80, s14;
	s19 =	sand.u32 $0x70, s4;
	[tilespmem:s4+$0x5100] =	vst.msk vm0, v7  }
0x4f: {  	s1 =	sor.u32 s19, s15;
	[tilespmem:s4+$0x5200] =	vst.msk vm0, v8  }
0x50: {  	v7 =	vld [tilespmem:s1+$0x0];
	_ =	sdelay $0x3  }
0x51: {  	v8 =	vor.u32 s14, v0  }
0x52: {  	vm13 =	vlt.s32 v8, v6;
	vm12 =	veq.f32 v7, v5  }
0x53: {  	vm14 =	vgt.f32 v7, v5;
	vm1 =	vmand vm13, vm12  }
0x54: {  	s24 =	simm.s32 $0x2800;
	vm1 =	vmor vm14, vm1  }
0x55: {  	s25 =	sand.u32 $0x7F80, s24;
	[tilespmem:s4+$0x19900] =	vst.msk vm1, v7  }
0x56: {  	s1 =	sor.u32 s19, s25;
	[tilespmem:s4+$0x19A00] =	vst.msk vm1, v8  }
0x57: {  	v7 =	vld [tilespmem:s1+$0x0];
	_ =	sdelay $0x2  }
0x58: {  	v8 =	vsel vm0, $0x1, v1  }
0x59: {  	v9 =	vor.u32 s24, v0;
	(xrf0) =	vadd.scan.msk.s32 $0xffff, v8  }
0x5a: {  	vm4 =	vlt.s32 v9, v6;
	vm15 =	veq.f32 v7, v5  }
0x5b: {  	vm5 =	vgt.f32 v7, v5;
	vm0 =	vmand vm4, vm15  }
0x5c: {  	s3 =	simm.s32 $0x3C00;
	vm0 =	vmor vm5, vm0  }
0x5d: {  	s5 =	sand.u32 $0x7F80, s3;
	[tilespmem:s4+$0x19B00] =	vst.msk vm0, v7  }
0x5e: {  	s1 =	sor.u32 s19, s5;
	[tilespmem:s4+$0x19C00] =	vst.msk vm0, v9  }
0x5f: {  	v8, _, _ =	vpop (xrf0);
	v7 =	vld [tilespmem:s1+$0x0]  }
0x60: {  	(v2sf) =	vpush v8, $0xF;
	_ =	sdelay $0x1  }
0x61: {  	v8 =	vsel vm1, $0x1, v1  }
0x62: {  	v61 =	vor.u32 s3, v0;
	(xrf0) =	vadd.scan.msk.s32 $0xffff, v8  }
0x63: {  	vm7 =	vlt.s32 v61, v6;
	vm6 =	veq.f32 v7, v5  }
0x64: {  	v8 =	vsel vm0, $0x1, v1;
	vm8 =	vgt.f32 v7, v5;
	vm1 =	vmand vm7, vm6  }
0x65: {  	(xrf0) =	vadd.scan.msk.s32 $0xffff, v8;
	vm9 =	vmor vm8, vm1  }
0x66: {  	[tilespmem:s4+$0x19D00] =	vst.msk vm9, v7  }
0x67: {  	s24 =	simm.s32 $0x10;
	v8 =	vsel vm9, $0x1, v1;
	[tilespmem:s4+$0x19E00] =	vst.msk vm9, v61  }
0x68: {  	v7, _, _ =	vpop (xrf0);
	(xrf0) =	vadd.scan.msk.s32 $0xffff, v8;
	v8 =	vld [tilespmem:s24+$0x0]  }
0x69: {  	(v2sf) =	vpush v7, $0xF;
	_ =	sdelay $0x1  }
0x6a: {  	v7, _, _ =	vpop (xrf0)  }
0x6b: {  	(v2sf) =	vpush v7, $0xF;
	v7 =	vor.u32 s24, v0  }
0x6c: {  	vm11 =	vlt.s32 v7, v6;
	vm10 =	veq.f32 v8, v5  }
0x6d: {  	s6 =	spop (v2sf);
	vm12 =	vgt.f32 v8, v5;
	vm0 =	vmand vm11, vm10  }
0x6e: {  	s7 =	simm.s32 $0x1410;
	s15 =	sadd.s32 $0x0, s6;
	v62, _, _ =	vpop (xrf0);
	vm0 =	vmor vm12, vm0  }
0x6f: {  	s10 =	sand.u32 $0x3F80, s7;
	s0 =	sand.u32 $0x70, s24;
	(v2sf) =	vpush v62, $0xF;
	[tilespmem:s15+$0x5100] =	vst.msk vm0, v8  }
0x70: {  	s2 =	sor.u32 s0, s10;
	[tilespmem:s15+$0x5200] =	vst.msk vm0, v7  }
0x71: {  	v7 =	vld [tilespmem:s2+$0x0]  }
0x72: {  	v8 =	vsel vm0, $0x1, v1  }
0x73: {  	(xrf0) =	vadd.scan.msk.s32 $0xffff, v8;
	_ =	sdelay $0x1  }
0x74: {  	v8 =	vor.u32 s7, v0  }
0x75: {  	vm14 =	vlt.s32 v8, v6;
	vm13 =	veq.f32 v7, v5  }
0x76: {  	s14 =	spop (v2sf);
	vm15 =	vgt.f32 v7, v5;
	vm0 =	vmand vm14, vm13  }
0x77: {  	s1 =	sadd.s32 $0x0, s14;
	vm0 =	vmor vm15, vm0  }
0x78: {  	[tilespmem:s1+$0x19900] =	vst.msk vm0, v7;
	v7, _, _ =	vpop (xrf0)  }
0x79: {  	(v2sf) =	vpush v7, $0xF  }
0x7a: {  	s5 =	simm.s32 $0x2810  }
0x7b: {  	s19 =	sand.u32 $0x7F80, s5;
	v63 =	vsel vm0, $0x1, v1  }
0x7c: {  	s31 =	simm.s32 $0x10;
	s6 =	sor.u32 s0, s19;
	s3 =	spop (v2sf);
	[tilespmem:s1+$0x19A00] =	vst.msk vm0, v8;
	(xrf0) =	vadd.scan.msk.s32 $0xffff, v63  }
0x7d: {  	s25 =	simm.s32 $0x20;
	s2 =	sadd.s32 $0x0, s3;
	v7 =	vld [tilespmem:s6+$0x0];
	s3 =	spop (v2sf)  }
.LBB2_4:
0x7e: {  	p0 =	sne.s32 s25, $0x13F0  }
0x7f: {  	s4 =	sadd.s32 s4, s3;
	s3 =	smov.u32 s25;
	s25 =	sadd.s32 $0x10, s25  }
0x80: {  	_ = 	snop  }
0x81: {  	v8 =	vor.u32 s5, v0  }
0x82: {  	vm1 =	vlt.s32 v8, v6;
	vm0 =	veq.f32 v7, v5;
	v9, _, _ =	vpop (xrf0)  }
0x83: {  	vm2 =	vgt.f32 v7, v5;
	vm0 =	vmand vm1, vm0;
	(v2sf) =	vpush v9, $0xF  }
0x84: {  	s5 =	sadd.s32 $0x3C00, s24;
	s24 =	smov.u32 s3;
	vm0 =	vmor vm2, vm0  }
0x85: {  	s3 =	sand.u32 $0x7F80, s5;
	[tilespmem:s2+$0x19B00] =	vst.msk vm0, v7;
	v7 =	vsel vm0, $0x1, v1  }
0x86: {  	s0 =	sor.u32 s0, s3;
	[tilespmem:s2+$0x19C00] =	vst.msk vm0, v8;
	(xrf0) =	vadd.scan.msk.s32 $0xffff, v7  }
0x87: {  	v7 =	vld [tilespmem:s0+$0x0]  }
0x88: {  	s0 =	spop (v2sf)  }
0x89: {  	s15 =	sadd.s32 s15, s0;
	_ =	sdelay $0x1  }
0x8a: {  	v8 =	vor.u32 s5, v0  }
0x8b: {  	vm1 =	vlt.s32 v8, v6;
	vm0 =	veq.f32 v7, v5;
	v9, _, _ =	vpop (xrf0)  }
0x8c: {  	vm2 =	vgt.f32 v7, v5;
	vm0 =	vmand vm1, vm0;
	(v2sf) =	vpush v9, $0xF  }
0x8d: {  	vm0 =	vmor vm2, vm0  }
0x8e: {  	[tilespmem:s4+$0x19D00] =	vst.msk vm0, v7;
	v7 =	vsel vm0, $0x1, v1  }
0x8f: {  	s31 =	sadd.s32 $0x10, s31;
	[tilespmem:s4+$0x19E00] =	vst.msk vm0, v8;
	(xrf0) =	vadd.scan.msk.s32 $0xffff, v7  }
0x90: {  	v7 =	vld [tilespmem:s31+$0x0]  }
0x91: {  	s0 =	spop (v2sf)  }
0x92: {  	s1 =	sadd.s32 s1, s0;
	_ =	sdelay $0x1  }
0x93: {  	v8 =	vor.u32 s24, v0  }
0x94: {  	vm1 =	vlt.s32 v8, v6;
	vm0 =	veq.f32 v7, v5;
	v9, _, _ =	vpop (xrf0)  }
0x95: {  	vm2 =	vgt.f32 v7, v5;
	vm0 =	vmand vm1, vm0;
	(v2sf) =	vpush v9, $0xF  }
0x96: {  	s3 =	sadd.s32 $0x1400, s24;
	vm0 =	vmor vm2, vm0  }
0x97: {  	s5 =	sand.u32 $0x3F80, s3;
	s0 =	sand.u32 $0x70, s24;
	[tilespmem:s15+$0x5100] =	vst.msk vm0, v7;
	v7 =	vsel vm0, $0x1, v1  }
0x98: {  	s5 =	sor.u32 s0, s5;
	[tilespmem:s15+$0x5200] =	vst.msk vm0, v8;
	(xrf0) =	vadd.scan.msk.s32 $0xffff, v7  }
0x99: {  	v7 =	vld [tilespmem:s5+$0x0]  }
0x9a: {  	s5 =	spop (v2sf)  }
0x9b: {  	s2 =	sadd.s32 s2, s5;
	_ =	sdelay $0x1  }
0x9c: {  	v8 =	vor.u32 s3, v0  }
0x9d: {  	vm1 =	vlt.s32 v8, v6;
	vm0 =	veq.f32 v7, v5;
	v9, _, _ =	vpop (xrf0)  }
0x9e: {  	vm2 =	vgt.f32 v7, v5;
	vm0 =	vmand vm1, vm0;
	(v2sf) =	vpush v9, $0xF  }
.Ltmp5:
0x9f: {  	s5 =	sadd.s32 $0x2800, s24;
	vm0 =	vmor vm2, vm0;
	(pc) =	sbr.rel @p0 .LBB2_4-.Ltmp5, $4  }
0xa0: {  	s3 =	sand.u32 $0x7F80, s5;
	[tilespmem:s1+$0x19900] =	vst.msk vm0, v7;
	v7 =	vsel vm0, $0x1, v1  }
0xa1: {  	s3 =	sor.u32 s0, s3;
	[tilespmem:s1+$0x19A00] =	vst.msk vm0, v8;
	(xrf0) =	vadd.scan.msk.s32 $0xffff, v7  }
0xa2: {  	v7 =	vld [tilespmem:s3+$0x0]  }
0xa3: {  	s3 =	spop (v2sf)  }
0xa4: {  	_ =	sdelay $0x1  }
0xa5: {  	v8 =	vor.u32 s5, v0  }
0xa6: {  	vm1 =	vlt.s32 v8, v6;
	vm0 =	veq.f32 v7, v5  }
0xa7: {  	vm2 =	vgt.f32 v7, v5;
	vm0 =	vmand vm1, vm0  }
0xa8: {  	s24 =	sadd.s32 $0x3C00, s24;
	vm0 =	vmor vm2, vm0  }
0xa9: {  	s6 =	sand.u32 $0x7F80, s24;
	[tilespmem:s2+$0x19B00] =	vst.msk vm0, v7  }
0xaa: {  	s0 =	sor.u32 s0, s6;
	[tilespmem:s2+$0x19C00] =	vst.msk vm0, v8  }
0xab: {  	v7 =	vld [tilespmem:s0+$0x0];
	_ =	sdelay $0x4  }
0xac: {  	vm12 =	veq.f32 v7, v5;
	vm14 =	vgt.f32 v7, v5;
	v5, _, _ =	vpop (xrf0)  }
0xad: {  	v63 =	vor.u32 s24, v0;
	(v2sf) =	vpush v5, $0xF  }
0xae: {  	vm13 =	vlt.s32 v63, v6  }
0xaf: {  	vm1 =	vmand vm13, vm12  }
0xb0: {  	v6 =	vsel vm0, $0x1, v1;
	vm15 =	vmor vm14, vm1  }
0xb1: {  	(xrf0) =	vadd.scan.msk.s32 $0xffff, v6;
	v5 =	vsel vm15, $0x1, v1  }
0xb2: {  	(xrf0) =	vadd.scan.msk.s32 $0xffff, v5;
	_ =	sdelay $0x4  }
0xb3: {  	v5, _, _ =	vpop (xrf0)  }
0xb4: {  	(v2sf) =	vpush v5, $0xF;
	v5, _, _ =	vpop (xrf0)  }
0xb5: {  	(v2sf) =	vpush v5, $0xF;
	_ =	sdelay $0x1  }
0xb6: {  	s0 =	spop (v2sf)  }
0xb7: {  	s4 =	sadd.s32 s4, s3;
	s24 =	spop (v2sf)  }
0xb8: {  	[tilespmem:s4+$0x19D00] =	vst.msk vm15, v7;
	s3 =	sadd.s32 s1, s24  }
0xb9: {  	s5 =	simm.s32 $0x19900;
	[tilespmem:s4+$0x19E00] =	vst.msk vm15, v63;
	p0 =	sle.s32 s3, $0x0  }
0xba: {  	v5 =	vld @!p0 [tilespmem:s5+$0x0]  }
0xbb: {  	s10 =	sadd.s32 s15, s0  }
0xbc: {  	s25 =	sshll.u32 s10, $0x2  }
0xbd: {  	s6 =	sshra.s32 s25, $0x2  }
0xbe: {  	s7 =	sadd.s32 $0x5100, s6  }
0xbf: {  	s14 =	simm.s32 $0x19A00;
	[tilespmem:s7+$0x0] =	vst @!p0 v5  }
0xc0: {  	v5 =	vld @!p0 [tilespmem:s14+$0x0];
	_ =	sdelay $0x1  }
0xc1: {  	s25 =	spop (v2sf)  }
0xc2: {  	s31 =	sadd.s32 s2, s25;
	s19 =	spop (v2sf)  }
0xc3: {  	s4 =	sadd.s32 s4, s19;
	s19 =	sadd.s32 $0x5200, s6;
	s6 =	simm.s32 $0x10  }
.LBB2_6:
0xc4: {  	[tilespmem:s19+$0x0] =	vst @!p0 v5;
	p0 =	sge.s32 s6, s3;
	s6 =	sadd.s32 $0x10, s6;
	s5 =	sadd.s32 $0x10, s5  }
0xc5: {  	v5 =	vld @!p0 [tilespmem:s5+$0x0];
	p1 =	sne.s32 s6, $0xD0;
	_ =	sdelay $0x3  }
0xc6: {  	s7 =	sadd.s32 $0x10, s7  }
0xc7: {  	s14 =	sadd.s32 $0x10, s14;
	[tilespmem:s7+$0x0] =	vst @!p0 v5  }
.Ltmp6:
0xc8: {  	v5 =	vld @!p0 [tilespmem:s14+$0x0];
	(pc) =	sbr.rel @p1 .LBB2_6-.Ltmp6, $2  }
0xc9: {  	_ =	sdelay $0x2  }
0xca: {  	s19 =	sadd.s32 $0x10, s19  }
0xcb: {  	[tilespmem:s19+$0x0] =	vst @!p0 v5;
	s5 =	simm.s32 $0x19B00;
	p0 =	sle.s32 s31, $0x0  }
0xcc: {  	v5 =	vld @!p0 [tilespmem:s5+$0x0]  }
0xcd: {  	s3 =	sadd.s32 s10, s3  }
0xce: {  	s3 =	sshll.u32 s3, $0x2  }
0xcf: {  	s3 =	sshra.s32 s3, $0x2  }
0xd0: {  	s7 =	sadd.s32 $0x5100, s3  }
0xd1: {  	s10 =	simm.s32 $0x19C00;
	[tilespmem:s7+$0x0] =	vst @!p0 v5  }
0xd2: {  	v5 =	vld @!p0 [tilespmem:s10+$0x0];
	_ =	sdelay $0x3  }
0xd3: {  	s6 =	simm.s32 $0x10;
	s3 =	sadd.s32 $0x5200, s3  }
.LBB2_8:
0xd4: {  	[tilespmem:s3+$0x0] =	vst @!p0 v5;
	p0 =	sge.s32 s6, s31;
	s6 =	sadd.s32 $0x10, s6;
	s5 =	sadd.s32 $0x10, s5  }
0xd5: {  	v5 =	vld @!p0 [tilespmem:s5+$0x0];
	p1 =	sne.s32 s6, $0xD0;
	_ =	sdelay $0x3  }
0xd6: {  	s7 =	sadd.s32 $0x10, s7  }
0xd7: {  	s10 =	sadd.s32 $0x10, s10;
	[tilespmem:s7+$0x0] =	vst @!p0 v5  }
.Ltmp7:
0xd8: {  	v5 =	vld @!p0 [tilespmem:s10+$0x0];
	(pc) =	sbr.rel @p1 .LBB2_8-.Ltmp7, $2  }
0xd9: {  	_ =	sdelay $0x2  }
0xda: {  	s3 =	sadd.s32 $0x10, s3  }
0xdb: {  	s0 =	sadd.s32 s0, s24  }
0xdc: {  	s0 =	sadd.s32 s25, s0  }
0xdd: {  	[tilespmem:s3+$0x0] =	vst @!p0 v5;
	p0 =	sle.s32 s4, $0x0;
	s1 =	sadd.s32 s1, s0;
	s0 =	simm.s32 $0x19D00  }
0xde: {  	s1 =	sadd.s32 s15, s1;
	v5 =	vld @!p0 [tilespmem:s0+$0x0]  }
0xdf: {  	s1 =	sadd.s32 s2, s1  }
0xe0: {  	s1 =	sshll.u32 s1, $0x2  }
0xe1: {  	s31 =	sshra.s32 s1, $0x2  }
0xe2: {  	s1 =	sadd.s32 $0x5100, s31  }
0xe3: {  	s3 =	simm.s32 $0x19E00;
	[tilespmem:s1+$0x0] =	vst @!p0 v5  }
0xe4: {  	v5 =	vld @!p0 [tilespmem:s3+$0x0];
	_ =	sdelay $0x3  }
0xe5: {  	s5 =	simm.s32 $0x10;
	s2 =	sadd.s32 $0x5200, s31  }
.LBB2_10:
0xe6: {  	[tilespmem:s2+$0x0] =	vst @!p0 v5;
	p0 =	sge.s32 s5, s4;
	s5 =	sadd.s32 $0x10, s5;
	s0 =	sadd.s32 $0x10, s0  }
0xe7: {  	v5 =	vld @!p0 [tilespmem:s0+$0x0];
	p1 =	sne.s32 s5, $0xD0;
	_ =	sdelay $0x3  }
0xe8: {  	s1 =	sadd.s32 $0x10, s1  }
0xe9: {  	s3 =	sadd.s32 $0x10, s3;
	[tilespmem:s1+$0x0] =	vst @!p0 v5  }
.Ltmp8:
0xea: {  	v5 =	vld @!p0 [tilespmem:s3+$0x0];
	(pc) =	sbr.rel @p1 .LBB2_10-.Ltmp8, $2  }
0xeb: {  	_ =	sdelay $0x2  }
0xec: {  	s2 =	sadd.s32 $0x10, s2  }
0xed: {  	[tilespmem:s2+$0x0] =	vst @!p0 v5  }
0xee: {  	s0 =	simm.s32 $0x0;
	v8 =	vld [tilespmem:$0x5100]  }
0xef: {  	v14 =	vmov s0;
	v6 =	vld [tilespmem:$0x5110]  }
0xf0: {  	[tilespmem:$0x51C8] =	vst v2;
	v7 =	vld [tilespmem:$0x5120]  }
0xf1: {  	[tilespmem:$0x52C8] =	vst v3;
	v5 =	vld [tilespmem:$0x5130]  }
0xf2: {  	v12 =	vld [tilespmem:$0x5200];
	[tilespmem:$0x51D0] =	vst v2  }
0xf3: {  	v9 =	vld [tilespmem:$0x5230];
	[tilespmem:$0x52D0] =	vst v4  }
0xf4: {  	v17 =	vld.idx.msk [tilespmem:v14+s26+$0x0], $0xffff  }
0xf5: {  	v18 =	vld.idx.msk [tilespmem:v14+s28+$0x0], $0xffff  }
0xf6: {  	v10 =	vld [tilespmem:$0x5210]  }
0xf7: {  	s31 =	simm.s32 $0x1;
	v13 =	vimm.s32 $0x0;
	v16 =	vimm.s32 $0x0;
	v11 =	vld [tilespmem:$0x5220]  }
0xf8: {  	v15 =	vimm.s32 $0x0;
	v19 =	vmov s31;
	v14 =	vimm.s32 $0x0  }
0xf9: {  	s0 =	simm.s32 $0x2;
	vm2 =	veq.f32 v17, v8;
	vm0 =	veq.f32 v17, v6;
	vm1 =	veq.f32 v17, v7  }
.LBB2_12:
0xfa: {  	p0 =	sne.s32 s0, $0xDF;
	vm3 =	vlt.s32 v18, v12;
	vm4 =	veq.f32 v17, v5;
	vm5 =	vlt.s32 v18, v9  }
0xfb: {  	vm6 =	vlt.s32 v18, v10;
	vm7 =	vgt.f32 v17, v5;
	vm4 =	vmand vm4, vm5  }
0xfc: {  	vm2 =	vmand vm2, vm3;
	vm3 =	vlt.s32 v18, v11;
	vm4 =	vmor vm7, vm4  }
0xfd: {  	vm0 =	vmand vm0, vm6;
	vm1 =	vmand vm1, vm3;
	v20 =	vld.idx.msk [tilespmem:v19+s26+$0x0], $0xffff;
	v21 =	vsel vm4, $0x1, v1  }
0xfe: {  	vm3 =	vgt.f32 v17, v8;
	vm4 =	vgt.f32 v17, v6;
	v18 =	vld.idx.msk [tilespmem:v19+s28+$0x0], $0xffff;
	v13 =	vadd.s32 v21, v13  }
.Ltmp9:
0xff: {  	vm2 =	vmor vm3, vm2;
	vm3 =	vgt.f32 v17, v7;
	vm0 =	vmor vm4, vm0;
	(pc) =	sbr.rel @p0 .LBB2_12-.Ltmp9, $4  }
0x100: {  	v17 =	vsel vm2, $0x1, v1;
	v19 =	vsel vm0, $0x1, v1;
	vm0 =	vmor vm3, vm1  }
0x101: {  	v16 =	vadd.s32 v17, v16;
	v14 =	vadd.s32 v19, v14;
	v21 =	vsel vm0, $0x1, v1  }
0x102: {  	v19 =	vmov s0;
	v15 =	vadd.s32 v21, v15  }
0x103: {  	s0 =	sadd.s32 $0x1, s0;
	vm2 =	veq.f32 v20, v8;
	vm0 =	veq.f32 v20, v6;
	vm1 =	veq.f32 v20, v7;
	v17 =	vmovc v20  }
0x104: {  	_ =	sdelay $0x1  }
0x105: {  	vm3 =	vlt.s32 v18, v12;
	vm4 =	veq.f32 v17, v5  }
0x106: {  	vm5 =	vlt.s32 v18, v9;
	vm6 =	vlt.s32 v18, v10;
	vm7 =	vgt.f32 v17, v5  }
0x107: {  	vm12 =	vgt.f32 v17, v6;
	vm2 =	vmand vm2, vm3;
	vm3 =	vlt.s32 v18, v11;
	v18 =	vld.idx.msk [tilespmem:v19+s26+$0x0], $0xffff  }
0x108: {  	vm4 =	vmand vm4, vm5;
	v19 =	vld.idx.msk [tilespmem:v19+s28+$0x0], $0xffff;
	vm1 =	vmand vm1, vm3;
	vm3 =	vgt.f32 v17, v8  }
0x109: {  	vm0 =	vmand vm0, vm6;
	vm2 =	vmor vm3, vm2;
	vm3 =	vgt.f32 v17, v7  }
0x10a: {  	vm0 =	vmor vm12, vm0;
	v17 =	vsel vm2, $0x1, v1;
	vm1 =	vmor vm3, vm1  }
0x10b: {  	v20 =	vsel vm0, $0x1, v1;
	v16 =	vadd.s32 v17, v16;
	v17 =	vsel vm1, $0x1, v1  }
0x10c: {  	vm0 =	vmor vm7, vm4;
	v14 =	vadd.s32 v20, v14;
	v15 =	vadd.s32 v17, v15  }
0x10d: {  	vm1 =	veq.f32 v18, v8;
	vm2 =	veq.f32 v18, v6;
	vm3 =	vlt.s32 v19, v12  }
0x10e: {  	vm13 =	veq.f32 v18, v7;
	vm1 =	vmand vm1, vm3;
	vm3 =	vgt.f32 v18, v8  }
0x10f: {  	vm14 =	veq.f32 v18, v5;
	vm15 =	vlt.s32 v19, v10;
	vm1 =	vmor vm3, vm1  }
0x110: {  	vm2 =	vmand vm2, vm15;
	vm3 =	vgt.f32 v18, v6;
	v17 =	vsel vm1, $0x1, v1  }
0x111: {  	vm1 =	vlt.s32 v19, v11;
	vm2 =	vmor vm3, vm2;
	v16 =	vadd.s32 v17, v16  }
0x112: {  	vm3 =	vgt.f32 v18, v7;
	vm1 =	vmand vm13, vm1;
	v17 =	vsel vm2, $0x1, v1  }
0x113: {  	vm2 =	vlt.s32 v19, v9;
	vm1 =	vmor vm3, vm1;
	v14 =	vadd.s32 v17, v14  }
0x114: {  	vm3 =	vgt.f32 v18, v5;
	vm2 =	vmand vm14, vm2;
	v17 =	vsel vm1, $0x1, v1  }
0x115: {  	v18 =	vsel vm0, $0x1, v1;
	vm0 =	vmor vm3, vm2;
	v15 =	vadd.s32 v17, v15  }
0x116: {  	v13 =	vadd.s32 v18, v13;
	v17 =	vsel vm0, $0x1, v1;
	[tilespmem:v16+s29+$0x0] =	vst.idx.msk $0xffff, v8  }
0x117: {  	v8 =	vadd.s32 v17, v13;
	[tilespmem:v16+s30+$0x0] =	vst.idx.msk $0xffff, v12  }
0x118: {  	[tilespmem:v14+s29+$0x0] =	vst.idx.msk $0xffff, v6  }
0x119: {  	[tilespmem:v14+s30+$0x0] =	vst.idx.msk $0xffff, v10  }
0x11a: {  	[tilespmem:v15+s29+$0x0] =	vst.idx.msk $0xffff, v7  }
0x11b: {  	s0 =	simm.s32 $0x0;
	[tilespmem:v15+s30+$0x0] =	vst.idx.msk $0xffff, v11  }
0x11c: {  	v14 =	vmov s0;
	[tilespmem:v8+s29+$0x0] =	vst.idx.msk $0xffff, v5  }
0x11d: {  	[tilespmem:v8+s30+$0x0] =	vst.idx.msk $0xffff, v9  }
0x11e: {  	v8 =	vld [tilespmem:$0x5140]  }
0x11f: {  	v7 =	vld [tilespmem:$0x5150]  }
0x120: {  	v6 =	vld [tilespmem:$0x5160]  }
0x121: {  	v17 =	vld.idx.msk [tilespmem:v14+s26+$0x0], $0xffff  }
0x122: {  	v5 =	vld [tilespmem:$0x5170]  }
0x123: {  	v12 =	vld [tilespmem:$0x5240]  }
0x124: {  	v9 =	vld [tilespmem:$0x5270]  }
0x125: {  	v18 =	vld.idx.msk [tilespmem:v14+s28+$0x0], $0xffff  }
0x126: {  	s31 =	simm.s32 $0x1;
	v10 =	vld [tilespmem:$0x5250]  }
0x127: {  	v19 =	vmov s31;
	v13 =	vimm.s32 $0x0;
	v11 =	vld [tilespmem:$0x5260]  }
0x128: {  	v16 =	vimm.s32 $0x0;
	v15 =	vimm.s32 $0x0;
	v14 =	vimm.s32 $0x0  }
0x129: {  	s0 =	simm.s32 $0x2;
	vm2 =	veq.f32 v17, v8;
	vm0 =	veq.f32 v17, v7;
	vm1 =	veq.f32 v17, v6  }
.LBB2_14:
0x12a: {  	p0 =	sne.s32 s0, $0xDF;
	vm3 =	vlt.s32 v18, v12;
	vm4 =	veq.f32 v17, v5;
	vm5 =	vlt.s32 v18, v9  }
0x12b: {  	vm6 =	vlt.s32 v18, v10;
	vm7 =	vgt.f32 v17, v5;
	vm4 =	vmand vm4, vm5  }
0x12c: {  	vm2 =	vmand vm2, vm3;
	vm3 =	vlt.s32 v18, v11;
	vm4 =	vmor vm7, vm4  }
0x12d: {  	vm0 =	vmand vm0, vm6;
	vm1 =	vmand vm1, vm3;
	v20 =	vld.idx.msk [tilespmem:v19+s26+$0x0], $0xffff;
	v21 =	vsel vm4, $0x1, v1  }
0x12e: {  	vm3 =	vgt.f32 v17, v8;
	vm4 =	vgt.f32 v17, v7;
	v18 =	vld.idx.msk [tilespmem:v19+s28+$0x0], $0xffff;
	v13 =	vadd.s32 v21, v13  }
.Ltmp10:
0x12f: {  	vm2 =	vmor vm3, vm2;
	vm3 =	vgt.f32 v17, v6;
	vm0 =	vmor vm4, vm0;
	(pc) =	sbr.rel @p0 .LBB2_14-.Ltmp10, $4  }
0x130: {  	v17 =	vsel vm2, $0x1, v1;
	v19 =	vsel vm0, $0x1, v1;
	vm0 =	vmor vm3, vm1  }
0x131: {  	v16 =	vadd.s32 v17, v16;
	v14 =	vadd.s32 v19, v14;
	v21 =	vsel vm0, $0x1, v1  }
0x132: {  	v19 =	vmov s0;
	v15 =	vadd.s32 v21, v15  }
0x133: {  	s0 =	sadd.s32 $0x1, s0;
	vm2 =	veq.f32 v20, v8;
	vm0 =	veq.f32 v20, v7;
	vm1 =	veq.f32 v20, v6;
	v17 =	vmovc v20  }
0x134: {  	_ =	sdelay $0x1  }
0x135: {  	vm3 =	vlt.s32 v18, v12;
	vm4 =	veq.f32 v17, v5  }
0x136: {  	vm5 =	vlt.s32 v18, v9;
	vm6 =	vlt.s32 v18, v10;
	vm7 =	vgt.f32 v17, v5  }
0x137: {  	vm12 =	vgt.f32 v17, v7;
	vm2 =	vmand vm2, vm3;
	vm3 =	vlt.s32 v18, v11;
	v18 =	vld.idx.msk [tilespmem:v19+s26+$0x0], $0xffff  }
0x138: {  	vm4 =	vmand vm4, vm5;
	v19 =	vld.idx.msk [tilespmem:v19+s28+$0x0], $0xffff;
	vm1 =	vmand vm1, vm3;
	vm3 =	vgt.f32 v17, v8  }
0x139: {  	vm0 =	vmand vm0, vm6;
	vm2 =	vmor vm3, vm2;
	vm3 =	vgt.f32 v17, v6  }
0x13a: {  	vm0 =	vmor vm12, vm0;
	v17 =	vsel vm2, $0x1, v1;
	vm1 =	vmor vm3, vm1  }
0x13b: {  	v20 =	vsel vm0, $0x1, v1;
	v16 =	vadd.s32 v17, v16;
	v17 =	vsel vm1, $0x1, v1  }
0x13c: {  	vm0 =	vmor vm7, vm4;
	v14 =	vadd.s32 v20, v14;
	v15 =	vadd.s32 v17, v15  }
0x13d: {  	vm1 =	veq.f32 v18, v8;
	vm2 =	veq.f32 v18, v7;
	vm3 =	vlt.s32 v19, v12  }
0x13e: {  	vm13 =	veq.f32 v18, v6;
	vm1 =	vmand vm1, vm3;
	vm3 =	vgt.f32 v18, v8  }
0x13f: {  	vm14 =	veq.f32 v18, v5;
	vm15 =	vlt.s32 v19, v10;
	vm1 =	vmor vm3, vm1  }
0x140: {  	vm2 =	vmand vm2, vm15;
	vm3 =	vgt.f32 v18, v7;
	v17 =	vsel vm1, $0x1, v1  }
0x141: {  	vm1 =	vlt.s32 v19, v11;
	vm2 =	vmor vm3, vm2;
	v16 =	vadd.s32 v17, v16  }
0x142: {  	vm3 =	vgt.f32 v18, v6;
	vm1 =	vmand vm13, vm1;
	v17 =	vsel vm2, $0x1, v1  }
0x143: {  	vm2 =	vlt.s32 v19, v9;
	vm1 =	vmor vm3, vm1;
	v14 =	vadd.s32 v17, v14  }
0x144: {  	vm3 =	vgt.f32 v18, v5;
	vm2 =	vmand vm14, vm2;
	v17 =	vsel vm1, $0x1, v1  }
0x145: {  	v18 =	vsel vm0, $0x1, v1;
	vm0 =	vmor vm3, vm2;
	v15 =	vadd.s32 v17, v15  }
0x146: {  	v13 =	vadd.s32 v18, v13;
	v17 =	vsel vm0, $0x1, v1;
	[tilespmem:v16+s29+$0x0] =	vst.idx.msk $0xffff, v8  }
0x147: {  	v8 =	vadd.s32 v17, v13;
	[tilespmem:v16+s30+$0x0] =	vst.idx.msk $0xffff, v12  }
0x148: {  	[tilespmem:v14+s29+$0x0] =	vst.idx.msk $0xffff, v7  }
0x149: {  	[tilespmem:v14+s30+$0x0] =	vst.idx.msk $0xffff, v10  }
0x14a: {  	[tilespmem:v15+s29+$0x0] =	vst.idx.msk $0xffff, v6  }
0x14b: {  	s0 =	simm.s32 $0x0;
	[tilespmem:v15+s30+$0x0] =	vst.idx.msk $0xffff, v11  }
0x14c: {  	v14 =	vmov s0;
	[tilespmem:v8+s29+$0x0] =	vst.idx.msk $0xffff, v5  }
0x14d: {  	[tilespmem:v8+s30+$0x0] =	vst.idx.msk $0xffff, v9  }
0x14e: {  	v8 =	vld [tilespmem:$0x5180]  }
0x14f: {  	v7 =	vld [tilespmem:$0x5190]  }
0x150: {  	v5 =	vld [tilespmem:$0x51A0]  }
0x151: {  	v17 =	vld.idx.msk [tilespmem:v14+s26+$0x0], $0xffff  }
0x152: {  	v6 =	vld [tilespmem:$0x51B0]  }
0x153: {  	v12 =	vld [tilespmem:$0x5280]  }
0x154: {  	v11 =	vld [tilespmem:$0x52B0]  }
0x155: {  	v18 =	vld.idx.msk [tilespmem:v14+s28+$0x0], $0xffff  }
0x156: {  	s31 =	simm.s32 $0x1;
	v9 =	vld [tilespmem:$0x5290]  }
0x157: {  	v19 =	vmov s31;
	v13 =	vimm.s32 $0x0;
	v10 =	vld [tilespmem:$0x52A0]  }
0x158: {  	v16 =	vimm.s32 $0x0;
	v15 =	vimm.s32 $0x0;
	v14 =	vimm.s32 $0x0  }
0x159: {  	s0 =	simm.s32 $0x2;
	vm2 =	veq.f32 v17, v8;
	vm0 =	veq.f32 v17, v7;
	vm1 =	veq.f32 v17, v5  }
.LBB2_16:
0x15a: {  	p0 =	sne.s32 s0, $0xDF;
	vm3 =	vlt.s32 v18, v12;
	vm4 =	veq.f32 v17, v6;
	vm5 =	vlt.s32 v18, v11  }
0x15b: {  	vm6 =	vlt.s32 v18, v9;
	vm7 =	vgt.f32 v17, v6;
	vm4 =	vmand vm4, vm5  }
0x15c: {  	vm2 =	vmand vm2, vm3;
	vm3 =	vlt.s32 v18, v10;
	vm4 =	vmor vm7, vm4  }
0x15d: {  	vm0 =	vmand vm0, vm6;
	vm1 =	vmand vm1, vm3;
	v20 =	vld.idx.msk [tilespmem:v19+s26+$0x0], $0xffff;
	v21 =	vsel vm4, $0x1, v1  }
0x15e: {  	vm3 =	vgt.f32 v17, v8;
	vm4 =	vgt.f32 v17, v7;
	v18 =	vld.idx.msk [tilespmem:v19+s28+$0x0], $0xffff;
	v13 =	vadd.s32 v21, v13  }
.Ltmp11:
0x15f: {  	vm2 =	vmor vm3, vm2;
	vm3 =	vgt.f32 v17, v5;
	vm0 =	vmor vm4, vm0;
	(pc) =	sbr.rel @p0 .LBB2_16-.Ltmp11, $4  }
0x160: {  	v17 =	vsel vm2, $0x1, v1;
	v19 =	vsel vm0, $0x1, v1;
	vm0 =	vmor vm3, vm1  }
0x161: {  	v16 =	vadd.s32 v17, v16;
	v14 =	vadd.s32 v19, v14;
	v21 =	vsel vm0, $0x1, v1  }
0x162: {  	v19 =	vmov s0;
	v15 =	vadd.s32 v21, v15  }
0x163: {  	s0 =	sadd.s32 $0x1, s0;
	vm2 =	veq.f32 v20, v8;
	vm0 =	veq.f32 v20, v7;
	vm1 =	veq.f32 v20, v5;
	v17 =	vmovc v20  }
0x164: {  	_ =	sdelay $0x1  }
0x165: {  	vm3 =	vlt.s32 v18, v12;
	vm4 =	veq.f32 v17, v6  }
0x166: {  	vm5 =	vlt.s32 v18, v11;
	vm6 =	vlt.s32 v18, v9;
	vm7 =	vgt.f32 v17, v6  }
0x167: {  	vm10 =	vlt.s32 v18, v10;
	v61 =	vld.idx.msk [tilespmem:v19+s26+$0x0], $0xffff;
	vm11 =	vgt.f32 v17, v8;
	vm12 =	vgt.f32 v17, v7  }
0x168: {  	v62 =	vld.idx.msk [tilespmem:v19+s28+$0x0], $0xffff;
	vm13 =	vgt.f32 v17, v5;
	vm4 =	vmand vm4, vm5;
	vm2 =	vmand vm2, vm3  }
0x169: {  	vm0 =	vmand vm0, vm6;
	vm1 =	vmand vm1, vm10;
	vm2 =	vmor vm11, vm2  }
0x16a: {  	vm0 =	vmor vm12, vm0;
	vm1 =	vmor vm13, vm1;
	v17 =	vsel vm2, $0x1, v1  }
0x16b: {  	v20 =	vsel vm0, $0x1, v1;
	v16 =	vadd.s32 v17, v16;
	v17 =	vsel vm1, $0x1, v1  }
0x16c: {  	vm0 =	vmor vm7, vm4;
	v14 =	vadd.s32 v20, v14;
	v15 =	vadd.s32 v17, v15  }
0x16d: {  	vm14 =	veq.f32 v61, v8;
	vm15 =	veq.f32 v61, v7;
	vm8 =	vlt.s32 v62, v12  }
0x16e: {  	vm9 =	veq.f32 v61, v5;
	vm10 =	vgt.f32 v61, v8;
	vm1 =	vmand vm14, vm8  }
0x16f: {  	vm11 =	veq.f32 v61, v6;
	vm12 =	vlt.s32 v62, v9;
	vm1 =	vmor vm10, vm1  }
0x170: {  	vm13 =	vgt.f32 v61, v7;
	vm2 =	vmand vm15, vm12;
	v17 =	vsel vm1, $0x1, v1  }
0x171: {  	vm14 =	vlt.s32 v62, v10;
	vm2 =	vmor vm13, vm2;
	v16 =	vadd.s32 v17, v16  }
0x172: {  	vm15 =	vgt.f32 v61, v5;
	vm1 =	vmand vm9, vm14;
	v17 =	vsel vm2, $0x1, v1  }
0x173: {  	vm6 =	vlt.s32 v62, v11;
	vm1 =	vmor vm15, vm1;
	v14 =	vadd.s32 v17, v14  }
0x174: {  	vm7 =	vgt.f32 v61, v6;
	vm2 =	vmand vm11, vm6;
	v17 =	vsel vm1, $0x1, v1  }
0x175: {  	v63 =	vsel vm0, $0x1, v1;
	vm8 =	vmor vm7, vm2;
	v15 =	vadd.s32 v17, v15  }
0x176: {  	v13 =	vadd.s32 v63, v13;
	v17 =	vsel vm8, $0x1, v1;
	[tilespmem:v16+s29+$0x0] =	vst.idx.msk $0xffff, v8  }
0x177: {  	v8 =	vadd.s32 v17, v13;
	[tilespmem:v16+s30+$0x0] =	vst.idx.msk $0xffff, v12  }
0x178: {  	[tilespmem:v14+s29+$0x0] =	vst.idx.msk $0xffff, v7  }
0x179: {  	[tilespmem:v14+s30+$0x0] =	vst.idx.msk $0xffff, v9  }
0x17a: {  	[tilespmem:v15+s29+$0x0] =	vst.idx.msk $0xffff, v5  }
0x17b: {  	[tilespmem:v15+s30+$0x0] =	vst.idx.msk $0xffff, v10  }
0x17c: {  	s0 =	simm.s32 $0x0;
	[tilespmem:v8+s29+$0x0] =	vst.idx.msk $0xffff, v6  }
0x17d: {  	v9 =	vmov s0;
	[tilespmem:v8+s30+$0x0] =	vst.idx.msk $0xffff, v11  }
0x17e: {  	v6 =	vld [tilespmem:$0x51C0]  }
0x17f: {  	v5 =	vld [tilespmem:$0x51D0]  }
0x180: {  	v8 =	vld [tilespmem:$0x52C0]  }
0x181: {  	v7 =	vld [tilespmem:$0x52D0]  }
0x182: {  	v10 =	vld.idx.msk [tilespmem:v9+s26+$0x0], $0xffff  }
0x183: {  	s25 =	simm.s32 $0x1;
	v11 =	vld.idx.msk [tilespmem:v9+s28+$0x0], $0xffff  }
0x184: {  	v12 =	vmov s25;
	_ =	sdelay $0x1  }
0x185: {  	s31 =	simm.s32 $0x2  }
0x186: {  	v13 =	vmov s31;
	vm9 =	vgt.f32 v10, v6;
	vm10 =	veq.f32 v10, v6  }
0x187: {  	vm11 =	vlt.s32 v11, v8;
	vm12 =	veq.f32 v10, v5;
	vm13 =	vlt.s32 v11, v7  }
0x188: {  	vm14 =	vgt.f32 v10, v5;
	v10 =	vld.idx.msk [tilespmem:v12+s26+$0x0], $0xffff;
	vm1 =	vmand vm10, vm11;
	vm3 =	vmand vm12, vm13  }
0x189: {  	v9 =	vimm.s32 $0x0;
	v12 =	vld.idx.msk [tilespmem:v12+s28+$0x0], $0xffff;
	vm0 =	vmor vm9, vm1;
	vm15 =	vmor vm14, vm3  }
0x18a: {  	s0 =	simm.s32 $0x3;
	v11 =	vimm.s32 $0x0;
	v15 =	vsel vm0, $0x1, v1;
	v14 =	vsel vm15, $0x1, v1  }
.LBB2_18:
0x18b: {  	p0 =	sne.s32 s0, $0xDF;
	v9 =	vadd.s32 v15, v9;
	v11 =	vadd.s32 v14, v11;
	_ =	sdelay $0x1  }
.Ltmp12:
0x18c: {  	vm0 =	vgt.f32 v10, v6;
	vm1 =	veq.f32 v10, v6;
	v14 =	vmov v10;
	(pc) =	sbr.rel @p0 .LBB2_18-.Ltmp12, $4  }
0x18d: {  	vm2 =	vlt.s32 v12, v8;
	vm3 =	veq.f32 v14, v5;
	vm4 =	vlt.s32 v12, v7;
	v10 =	vld.idx.msk [tilespmem:v13+s26+$0x0], $0xffff  }
0x18e: {  	vm1 =	vmand vm1, vm2;
	vm2 =	vgt.f32 v14, v5;
	vm3 =	vmand vm3, vm4;
	v12 =	vld.idx.msk [tilespmem:v13+s28+$0x0], $0xffff  }
0x18f: {  	v13 =	vmov s0;
	vm0 =	vmor vm0, vm1;
	vm1 =	vmor vm2, vm3  }
0x190: {  	s0 =	sadd.s32 $0x1, s0;
	v15 =	vsel vm0, $0x1, v1;
	v14 =	vsel vm1, $0x1, v1  }
0x191: {  	_ =	sdelay $0x3  }
0x192: {  	v16 =	vld.idx.msk [tilespmem:v13+s26+$0x0], $0xffff  }
0x193: {  	v58 =	vld.idx.msk [tilespmem:v13+s28+$0x0], $0xffff  }
0x194: {  	v9 =	vadd.s32 v15, v9;
	vm0 =	veq.f32 v10, v6;
	vm2 =	veq.f32 v10, v5  }
0x195: {  	vm15 =	vgt.f32 v10, v6;
	vm1 =	vlt.s32 v12, v8;
	vm3 =	vlt.s32 v12, v7  }
0x196: {  	vm4 =	vgt.f32 v10, v5;
	vm0 =	vmand vm0, vm1;
	vm2 =	vmand vm2, vm3  }
0x197: {  	v59 =	vadd.s32 v14, v11;
	vm0 =	vmor vm15, vm0;
	vm8 =	vmor vm4, vm2  }
0x198: {  	v60 =	vsel vm0, $0x1, v1;
	vm9 =	veq.f32 v16, v6;
	vm10 =	vlt.s32 v58, v8  }
0x199: {  	vm11 =	vgt.f32 v16, v6;
	vm12 =	veq.f32 v16, v5;
	vm0 =	vmand vm9, vm10  }
0x19a: {  	vm13 =	vlt.s32 v58, v7;
	vm14 =	vgt.f32 v16, v5;
	vm0 =	vmor vm11, vm0  }
0x19b: {  	v9 =	vadd.s32 v60, v9;
	vm2 =	vmand vm12, vm13;
	v61 =	vsel vm0, $0x1, v1  }
0x19c: {  	v62 =	vsel vm8, $0x1, v1;
	vm15 =	vmor vm14, vm2;
	v9 =	vadd.s32 v61, v9  }
0x19d: {  	v10 =	vadd.s32 v62, v59;
	v63 =	vsel vm15, $0x1, v1  }
0x19e: {  	v10 =	vadd.s32 v63, v10;
	_ =	sdelay $0x2  }
0x19f: {  	[tilespmem:v9+s29+$0x0] =	vst.idx.msk $0xffff, v6  }
0x1a0: {  	[tilespmem:v9+s30+$0x0] =	vst.idx.msk $0xffff, v8  }
0x1a1: {  	[tilespmem:v10+s29+$0x0] =	vst.idx.msk $0xffff, v5  }
0x1a2: {  	s0 =	simm.s32 $0x0;
	[tilespmem:v10+s30+$0x0] =	vst.idx.msk $0xffff, v7  }
0x1a3: {  	v5 =	vld [tilespmem:s0+$0x5400];
	_ =	sdelay $0x7  }
0x1a4: {  	v6 =	vld.idx.msk [tilespmem:v5+s18+$0x0], $0xffff;
	_ =	sdelay $0x4  }
0x1a5: {  	[tilespmem:s0+$0x19500] =	vst v6  }
0x1a6: {  	v6 =	vld.idx.msk [tilespmem:v5+s20+$0x0], $0xffff;
	_ =	sdelay $0x4  }
0x1a7: {  	[tilespmem:s0+$0x19600] =	vst v6  }
0x1a8: {  	v6 =	vld.idx.msk [tilespmem:v5+s21+$0x0], $0xffff;
	_ =	sdelay $0x3  }
0x1a9: {  	s2 =	simm.s32 $0x10;
	s1 =	simm.s32 $0x80  }
.LBB2_20:
0x1aa: {  	p0 =	sne.s32 s1, $0x340;
	v7 =	vld [tilespmem:s2+$0x5400];
	[tilespmem:s0+$0x19700] =	vst v6  }
0x1ab: {  	v6 =	vld.idx.msk [tilespmem:v5+s22+$0x0], $0xffff;
	_ =	sdelay $0x3  }
0x1ac: {  	v5 =	vmov v7;
	_ =	sdelay $0x1  }
0x1ad: {  	[tilespmem:s0+$0x19800] =	vst v6;
	s0 =	smov.u32 s2  }
0x1ae: {  	v6 =	vld.idx.msk [tilespmem:v7+s18+$0x0], $0xffff;
	_ =	sdelay $0x5  }
0x1af: {  	[tilespmem:s0+$0x19500] =	vst v6  }
0x1b0: {  	v6 =	vld.idx.msk [tilespmem:v7+s20+$0x0], $0xffff;
	_ =	sdelay $0x5  }
0x1b1: {  	[tilespmem:s0+$0x19600] =	vst v6  }
0x1b2: {  	v6 =	vld.idx.msk [tilespmem:v7+s21+$0x0], $0xffff  }
.Ltmp13:
0x1b3: {  	(pc) =	sbr.rel @p0 .LBB2_20-.Ltmp13, $2  }
0x1b4: {  	_ =	sdelay $0x2  }
0x1b5: {  	s2 =	sshra.s32 s1, $0x2;
	s1 =	sadd.s32 $0x40, s1  }
0x1b6: {  	_ =	sdelay $0x1  }
0x1b7: {  	v7 =	vld [tilespmem:s2+$0x5400]  }
0x1b8: {  	[tilespmem:s0+$0x19700] =	vst v6  }
0x1b9: {  	v5 =	vld.idx.msk [tilespmem:v5+s22+$0x0], $0xffff;
	_ =	sdelay $0x4  }
0x1ba: {  	[tilespmem:s0+$0x19800] =	vst v5  }
0x1bb: {  	v5 =	vld.idx.msk [tilespmem:v7+s18+$0x0], $0xffff;
	_ =	sdelay $0x4  }
0x1bc: {  	[tilespmem:s2+$0x19500] =	vst v5  }
0x1bd: {  	v5 =	vld.idx.msk [tilespmem:v7+s20+$0x0], $0xffff;
	_ =	sdelay $0x4  }
0x1be: {  	[tilespmem:s2+$0x19600] =	vst v5  }
0x1bf: {  	v5 =	vld.idx.msk [tilespmem:v7+s21+$0x0], $0xffff;
	_ =	sdelay $0x4  }
0x1c0: {  	[tilespmem:s2+$0x19700] =	vst v5  }
0x1c1: {  	v5 =	vld.idx.msk [tilespmem:v7+s22+$0x0], $0xffff;
	_ =	sdelay $0x1  }
0x1c2: {  	s10 =	sshll.u32 s12, $0xB  }
0x1c3: {  	s0 =	sor.u32 s13, s10  }
0x1c4: {  	s12 =	rddreg [dreg:$0x2];
	s1 =	sshrl.u32 s0, $0x3  }
0x1c5: {  	s3 =	simm.s32 $0x80;
	[tilespmem:s2+$0x19800] =	vst v5;
	s2 =	sadd.s32 s12, s1  }
0x1c6: {  	[hbm4b:s2+s3] =	stream.strided.scatter [tilespmem:s29], [sflag:$0x2], $0x100, s17, s3, $0x38;
	[tilespmem:$0x19F00] =	vst v63  }
0x1c7: {  	_ =	swait.ge [sflag:s23], $0x100  }
0x1c8: {  	s13 =	simm.s32 $0x19500;
	[sflag:s23] =	ssyncset.done $0x0  }
0x1c9: {  	s1 =	sadd.s32 s8, s1;
	s2 =	simm.s32 $0x80;
	[sflag:s23] =	ssyncadd.s32 $0xFFFFFF00  }
0x1ca: {  	[hbm4b:s1+s2] =	stream.strided.scatter [tilespmem:s13], [sflag:$0x2], $0x100, s17, s2, $0x38;
	[tilespmem:$0x19F00] =	vst v63  }
0x1cb: {  	s14 =	sadd.s32 $0xB000, s0;
	_ =	swait.ge [sflag:s23], $0x100  }
0x1cc: {  	s1 =	sshrl.u32 s14, $0x3;
	[sflag:s23] =	ssyncset.done $0x0  }
0x1cd: {  	s15 =	simm.s32 $0x19600;
	s1 =	sadd.s32 s8, s1;
	[sflag:s23] =	ssyncadd.s32 $0xFFFFFF00  }
0x1ce: {  	[hbm4b:s1+s2] =	stream.strided.scatter [tilespmem:s15], [sflag:$0x2], $0x100, s17, s2, $0x38;
	[tilespmem:$0x19F00] =	vst v63  }
0x1cf: {  	s19 =	sadd.s32 $0x16000, s0;
	_ =	swait.ge [sflag:s23], $0x100  }
0x1d0: {  	s1 =	sshrl.u32 s19, $0x3;
	[sflag:s23] =	ssyncset.done $0x0  }
0x1d1: {  	s24 =	simm.s32 $0x19700;
	s1 =	sadd.s32 s8, s1;
	[sflag:s23] =	ssyncadd.s32 $0xFFFFFF00  }
0x1d2: {  	[hbm4b:s1+s2] =	stream.strided.scatter [tilespmem:s24], [sflag:$0x2], $0x100, s17, s2, $0x38;
	[tilespmem:$0x19F00] =	vst v63  }
0x1d3: {  	s25 =	simm.s32 $0x19800;
	s0 =	sadd.s32 $0x21000, s0;
	_ =	swait.ge [sflag:s23], $0x100  }
0x1d4: {  	s31 =	simm.s32 $0x1;
	s0 =	sshrl.u32 s0, $0x3;
	[sflag:s23] =	ssyncset.done $0x0  }
.Ltmp14:
0x1d5: {  	s0 =	sadd.s32 s8, s0;
	[sflag:s23] =	ssyncadd.s32 $0xFFFFFF00;
	(pc) =	sbr.rel .LBB2_22-.Ltmp14, $4  }
0x1d6: {  	[hbm4b:s0+s2] =	stream.strided.scatter [tilespmem:s25], [sflag:$0x1], $0x100, s17, s2, $0x38;
	[tilespmem:$0x19F00] =	vst v63  }
0x1d7: {  	_ =	swait.ge [sflag:s31], $0x100  }
0x1d8: {  	[sflag:s31] =	ssyncset.done $0x0  }
0x1d9: {  	[sflag:s31] =	ssyncadd.s32 $0xFFFFFF00  }
.LBB2_24:
0x1da: {  	_ =	sfence.sel $0x180000  }
0x1db: {  	[bflag:$0x0] =	sbarrier.arrive $0xFFFF  }
0x1dc: {  	_ =	strace $0x90000047  }
0x1dd: {  	s0 =	stileid.u32;
	[bflag:$0x2] =	sbarrier.arrive $0xFFFF  }
0x1de: {  	p0 =	sne.s32 s0, $0x0;
	s0 =	rddreg [dreg:$0x3]  }
0x1df: {  	s0 =	sadd.s32 @!p0 $0x100000, s0  }
0x1e0: {  	[sflag:s0] =	ssyncadd.tile.s32 @!p0 $0x1;
	_ =	shalt  }
.Lfunc_end2:
_tile_overlayer_lowered:
.L_overlay_start_2:
0x1e1: {  	(tag) =	ssettag $0x2  }
0x1e2: {  	s0 =	rddreg [dreg:$0x0];
	s2 =	stileid.u32  }
0x1e3: {  	s1 =	rddreg [dreg:$0x1];
	p0 =	sne.s32 s2, $0x0  }
0x1e4: {  	s3 =	rddreg [dreg:$0x2];
	[bflag:$0x3] =	sbarrier.arrive $0xFFFF;
	s2 =	simm.s32 @!p0 $0x1C01  }
0x1e5: {  	[timem:s3], [sflag:s2] =	dma.local @!p0 [hbm:s0], s1  }
0x1e6: {  	s0 =	simm.s32 @!p0 $0x1  }
0x1e7: {  	_ =	swait.ge @!p0 [sflag:s0], s1  }
0x1e8: {  	s1 =	ssub.s32 @!p0 $0x0, s1;
	[sflag:s0] =	ssyncset.done @!p0 $0x0  }
0x1e9: {  	[sflag:s0] =	ssyncadd.s32 @!p0 s1  }
0x1ea: {  	[bflag:$0x3] =	sbarrier.arrive $0xFFFF  }
0x1eb: {  	_ =	shalt  }

</sc_bundles>
